<compile_context>
chip_gen: v7x
topology: tpu7x:2x2x1
jax: 0.10.2.dev20260603
libtpu: 0.0.44.dev20260713+nightly
codegen_flags: <defaults>
</compile_context>

<pallas_src>
import functools

import jax
import jax.numpy as jnp
from jax import lax
from jax.experimental import pallas as pl
from jax.experimental.pallas import tpu as pltpu
from jax.experimental.pallas import tpu_sc as plsc

LANES = 16
NSUB = 16
NVIS = 576
NCH = NVIS // LANES
LH = 64
LH_PER_W = LH // NSUB
ROWS_PER_LH = 8
ROWS_PER_W = LH_PER_W * ROWS_PER_LH
EPS = 1e-8


def _sc_body(a_hbm, rowids_hbm, vis_hbm, out_hbm,
             idx_v, vis_v, rows_v, t_v, acc_v, hwl_v, part_v, partl_v,
             outbuf_v, hw_sh, part_sh, sem):
    w = lax.axis_index("s")
    lane = lax.iota(jnp.int32, LANES)

    base_ids = pl.multiple_of(w * ROWS_PER_W, ROWS_PER_W)
    pltpu.sync_copy(rowids_hbm.at[pl.ds(base_ids, ROWS_PER_W)], idx_v)
    pltpu.sync_copy(vis_hbm, vis_v)
    pltpu.async_copy(a_hbm.at[idx_v], rows_v, sem).wait()

    for ll in range(LH_PER_W):
        def p1_body(j, acc, ll=ll):
            cbase = pl.multiple_of(j * LANES, LANES)
            cols = vis_v[pl.ds(cbase, LANES)]
            s = jnp.zeros((LANES,), jnp.float32)
            for r in range(5):
                ridx = jnp.full((LANES,), ll * ROWS_PER_LH + r, jnp.int32)
                s = s + plsc.load_gather(rows_v, [ridx, cols])
            tidx = jnp.full((LANES,), ll * ROWS_PER_LH + 5, jnp.int32)
            t_v[ll, pl.ds(cbase, LANES)] = plsc.load_gather(rows_v, [tidx, cols])
            return acc + s
        acc = lax.fori_loop(0, NCH, p1_body, jnp.zeros((LANES,), jnp.float32))
        acc_v[ll, :] = acc

    pltpu.sync_copy(acc_v, hw_sh.at[pl.ds(pl.multiple_of(w * LH_PER_W, LH_PER_W), LH_PER_W)])
    plsc.subcore_barrier()

    pltpu.sync_copy(hw_sh, hwl_v)
    hw = []
    for jj in range(LH // LANES):
        s = jnp.zeros((LANES,), jnp.float32)
        ridx = lane + jj * LANES
        for k in range(LANES):
            cidx = jnp.full((LANES,), k, jnp.int32)
            s = s + plsc.load_gather(hwl_v, [ridx, cidx])
        hw.append(s)
    m = jnp.max(jnp.maximum(jnp.maximum(hw[0], hw[1]), jnp.maximum(hw[2], hw[3])))
    e = [jnp.exp(h - m) for h in hw]
    ssum = jnp.sum(e[0] + e[1] + e[2] + e[3])
    wv = [x / ssum for x in e]

    lh0 = w * LH_PER_W
    jjt = lh0 // LANES
    wsel = jnp.where(jjt == 0, wv[0],
                     jnp.where(jjt == 1, wv[1],
                               jnp.where(jjt == 2, wv[2], wv[3])))
    wscal = [jnp.sum(jnp.where(lane == (lh0 % LANES) + ll, wsel, 0.0))
             for ll in range(LH_PER_W)]

    def p2_body(j, c):
        cbase = pl.multiple_of(j * LANES, LANES)
        p = jnp.zeros((LANES,), jnp.float32)
        for ll in range(LH_PER_W):
            p = p + wscal[ll] * t_v[ll, pl.ds(cbase, LANES)]
        part_v[pl.ds(cbase, LANES)] = p
        return c
    lax.fori_loop(0, NCH, p2_body, 0)
    pltpu.sync_copy(part_v, part_sh.at[w])
    plsc.subcore_barrier()

    @pl.when(w == 0)
    def _():
        pltpu.sync_copy(part_sh, partl_v)

        def sum_body(j, tot):
            cbase = pl.multiple_of(j * LANES, LANES)
            s = jnp.zeros((LANES,), jnp.float32)
            for ww in range(NSUB):
                s = s + partl_v[ww, pl.ds(cbase, LANES)]
            outbuf_v[pl.ds(cbase, LANES)] = s
            return tot + s
        tot = lax.fori_loop(0, NCH, sum_body, jnp.zeros((LANES,), jnp.float32))
        denom = jnp.sum(tot) + EPS

        def norm_body(j, c):
            cbase = pl.multiple_of(j * LANES, LANES)
            outbuf_v[pl.ds(cbase, LANES)] = outbuf_v[pl.ds(cbase, LANES)] / denom
            return c
        lax.fori_loop(0, NCH, norm_body, 0)
        pltpu.sync_copy(outbuf_v, out_hbm)


def kernel(query_indices, visual_indices, target_indices, self_attentions,
           topk_query_indices):
    del query_indices, target_indices
    L, B, H, Q, S = self_attentions.shape
    a2d = self_attentions.reshape(L * B * H * Q, S)

    rows = jnp.concatenate([
        topk_query_indices.astype(jnp.int32),
        jnp.full((3,), Q - 1, jnp.int32),
    ])
    row_ids = (jnp.arange(L * H, dtype=jnp.int32) * Q)[:, None] + rows[None, :]
    row_ids = row_ids.reshape(-1)
    vis = visual_indices.astype(jnp.int32)

    mesh = plsc.VectorSubcoreMesh(core_axis_name="c", subcore_axis_name="s",
                                  num_cores=1, num_subcores=NSUB)
    run = functools.partial(
        pl.kernel,
        out_type=jax.ShapeDtypeStruct((NVIS,), jnp.float32),
        mesh=mesh,
        scratch_types=[
            pltpu.VMEM((ROWS_PER_W,), jnp.int32),
            pltpu.VMEM((NVIS,), jnp.int32),
            pltpu.VMEM((ROWS_PER_W, S), jnp.float32),
            pltpu.VMEM((LH_PER_W, NVIS), jnp.float32),
            pltpu.VMEM((LH_PER_W, LANES), jnp.float32),
            pltpu.VMEM((LH, LANES), jnp.float32),
            pltpu.VMEM((NVIS,), jnp.float32),
            pltpu.VMEM((NSUB, NVIS), jnp.float32),
            pltpu.VMEM((NVIS,), jnp.float32),
            pltpu.VMEM_SHARED((LH, LANES), jnp.float32),
            pltpu.VMEM_SHARED((NSUB, NVIS), jnp.float32),
            pltpu.SemaphoreType.DMA,
        ],
        compiler_params=pltpu.CompilerParams(needs_layout_passes=False),
    )(_sc_body)
    out = run(a2d, row_ids, vis)
    return out.reshape(1, NVIS)

# --- scband reference (transcript-rebuilt; emitter-appended) ---
"""Pipeline reference for scband-grounding-head-49684181680708 (READ-ONLY COPY).

The authoritative reference and input builder live on the scoring server;
editing this copy changes nothing except your own understanding.
"""

import jax, jax.numpy as jnp
import numpy as np


def setup_inputs(seed: int = 0) -> dict:
    key = jax.random.key(seed)
    ks = jax.random.split(key, 5)
    self_attentions = jax.random.uniform(ks[0], (4, 1, 16, 2048, 2048), dtype=jnp.float32)
    visual_indices = jax.random.randint(ks[1], (576,), 0, 2048)
    topk_query_indices = jax.random.randint(ks[2], (5,), 0, 2048)
    query_indices = jax.random.randint(ks[3], (5,), 0, 2048)
    target_indices = jax.random.randint(ks[4], (1,), 0, 2048)
    return {
        "query_indices": query_indices,
        "visual_indices": visual_indices,
        "target_indices": target_indices,
        "self_attentions": self_attentions,
        "topk_query_indices": topk_query_indices,
    }


def reference(query_indices, visual_indices, target_indices, self_attentions, topk_query_indices):
    epsilon = 1e-08
    batch_idx = 0
    L, B, H, Q, S = self_attentions.shape
    # layer_attn per layer: (H, Q, S); vectorized over the layer dim
    layer_attn = self_attentions[:, batch_idx]  # (L, H, Q, S)
    # target_attn = layer_attn[:, -1, visual_indices] per layer -> (L, H, n_vis)
    target_attn = jnp.take(layer_attn[:, :, -1, :], visual_indices, axis=-1)
    # torch.cat over layers along dim 0 == reshape (L*H, n_vis)
    all_head_attns_cat = target_attn.reshape(L * H, -1)
    # q_attn = layer_attn[:, topk_query_indices, :][:, :, visual_indices] per layer
    q_attn = jnp.take(layer_attn, topk_query_indices, axis=2)  # (L, H, topk, S)
    q_attn = jnp.take(q_attn, visual_indices, axis=3)          # (L, H, topk, n_vis)
    query_cat = q_attn.reshape(L * H, q_attn.shape[2], q_attn.shape[3])
    head_weights = query_cat.sum(axis=(-1, -2))
    head_weights = jax.nn.softmax(head_weights, axis=-1)
    attn_merged = (head_weights[:, None] * all_head_attns_cat).sum(axis=0, keepdims=True)
    attn_merged = attn_merged / (attn_merged.sum(axis=-1, keepdims=True) + epsilon)
    return attn_merged

if __name__ == "__main__":
    import jax
    _d = setup_inputs()
    print(jax.jit(kernel)(*tuple(_d.values())))

</pallas_src>

<mosaic_0001>
#map = affine_map<(d0, d1) -> (0, 0)>
#map1 = affine_map<(d0, d1) -> (0)>
module attributes {stable_mosaic.version = 14 : i64} {
  func.func @_sc_body(%arg0: i32, %arg1: i32, %arg2: memref<131072x2048xf32, #tpu.memory_space<hbm>>, %arg3: memref<512xi32, #tpu.memory_space<hbm>>, %arg4: memref<576xi32, #tpu.memory_space<hbm>>, %arg5: memref<576xf32, #tpu.memory_space<hbm>>, %arg6: memref<32xi32, #tpu.memory_space<vmem>>, %arg7: memref<576xi32, #tpu.memory_space<vmem>>, %arg8: memref<32x2048xf32, #tpu.memory_space<vmem>>, %arg9: memref<4x576xf32, #tpu.memory_space<vmem>>, %arg10: memref<4x16xf32, #tpu.memory_space<vmem>>, %arg11: memref<64x16xf32, #tpu.memory_space<vmem>>, %arg12: memref<576xf32, #tpu.memory_space<vmem>>, %arg13: memref<16x576xf32, #tpu.memory_space<vmem>>, %arg14: memref<576xf32, #tpu.memory_space<vmem>>, %arg15: memref<64x16xf32, #tpu.memory_space<vmem_shared>>, %arg16: memref<16x576xf32, #tpu.memory_space<vmem_shared>>, %arg17: memref<!tpu.dma_semaphore, #tpu.memory_space<semaphore_mem>>) attributes {dimension_semantics = [#tpu.dimension_semantics<core_parallel>, #tpu.dimension_semantics<subcore_parallel>], iteration_bounds = array<i64: 1, 16>, scalar_prefetch = 0 : i64, scratch_operands = 12 : i64, tpu.core_type = #tpu.core_type<sc_vector_subcore>, window_params = [{transform_indices = #map}, {transform_indices = #map1}, {transform_indices = #map1}, {transform_indices = #map1}]} {
    %iota3A = tpu.iota {dimensions = array<i32: 0>} : vector<16xi32>
    %mul3A = arith.constant 32 : i32
    %mul3A_0 = arith.muli %arg1, %mul3A : i32
    %multiple_of3A = tpu.assume_multiple %mul3A_0, 32 : i32
    "tpu.region"() ({
      %run_scoped3A = tpu.sem_alloc : memref<!tpu.dma_semaphore, #tpu.memory_space<semaphore_mem>>
      %dma_start3A_500 = tpu.memref_slice %arg3[%multiple_of3A] : memref<512xi32, #tpu.memory_space<hbm>> -> memref<32xi32, #tpu.memory_space<hbm>>
      %dma_start3A_501 = tpu.memref_slice %arg3[%multiple_of3A] : memref<512xi32, #tpu.memory_space<hbm>> -> memref<32xi32, #tpu.memory_space<hbm>>
      tpu.enqueue_dma source(%dma_start3A_501 : memref<32xi32, #tpu.memory_space<hbm>>) target(%arg6 : memref<32xi32, #tpu.memory_space<vmem>>) target_semaphore(%run_scoped3A : memref<!tpu.dma_semaphore, #tpu.memory_space<semaphore_mem>>)
      %dma_wait3A_502 = tpu.memref_slice %arg3[%multiple_of3A] : memref<512xi32, #tpu.memory_space<hbm>> -> memref<32xi32, #tpu.memory_space<hbm>>
      %dma_wait3A_503 = tpu.memref_slice %arg3[%multiple_of3A] : memref<512xi32, #tpu.memory_space<hbm>> -> memref<32xi32, #tpu.memory_space<hbm>>
      tpu.wait_dma2 semaphore(%run_scoped3A : memref<!tpu.dma_semaphore, #tpu.memory_space<semaphore_mem>>) src(%dma_wait3A_503 : memref<32xi32, #tpu.memory_space<hbm>>) dst(%arg6 : memref<32xi32, #tpu.memory_space<vmem>>)
      tpu.yield
    }) : () -> ()
    "tpu.region"() ({
      %run_scoped3A = tpu.sem_alloc : memref<!tpu.dma_semaphore, #tpu.memory_space<semaphore_mem>>
      tpu.enqueue_dma source(%arg4 : memref<576xi32, #tpu.memory_space<hbm>>) target(%arg7 : memref<576xi32, #tpu.memory_space<vmem>>) target_semaphore(%run_scoped3A : memref<!tpu.dma_semaphore, #tpu.memory_space<semaphore_mem>>)
      tpu.wait_dma2 semaphore(%run_scoped3A : memref<!tpu.dma_semaphore, #tpu.memory_space<semaphore_mem>>) src(%arg4 : memref<576xi32, #tpu.memory_space<hbm>>) dst(%arg7 : memref<576xi32, #tpu.memory_space<vmem>>)
      tpu.yield
    }) : () -> ()
    %dma_start3A = arith.constant 0 : i32
    %dma_start3A_1 = arith.constant 0 : i32
    %dma_start3A_2 = tpu.memref_slice %arg2[%dma_start3A, %dma_start3A_1] : memref<131072x2048xf32, #tpu.memory_space<hbm>> -> memref<131072x2048xf32, #tpu.memory_space<hbm>>
    tpu.enqueue_indirect_dma source(%dma_start3A_2 : memref<131072x2048xf32, #tpu.memory_space<hbm>>) target(%arg8 : memref<32x2048xf32, #tpu.memory_space<vmem>>) offsets(%arg6 : memref<32xi32, #tpu.memory_space<vmem>>) semaphore(%arg17 : memref<!tpu.dma_semaphore, #tpu.memory_space<semaphore_mem>>)
    %dma_wait3A = arith.constant 0 : i32
    %dma_wait3A_3 = arith.constant 0 : i32
    %dma_wait3A_4 = tpu.memref_slice %arg2[%dma_wait3A, %dma_wait3A_3] : memref<131072x2048xf32, #tpu.memory_space<hbm>> -> memref<131072x2048xf32, #tpu.memory_space<hbm>>
    tpu.wait_indirect_dma semaphore(%arg17 : memref<!tpu.dma_semaphore, #tpu.memory_space<semaphore_mem>>) src(%dma_wait3A_4 : memref<131072x2048xf32, #tpu.memory_space<hbm>>) dst(%arg8 : memref<32x2048xf32, #tpu.memory_space<vmem>>)
    %broadcast_in_dim3A = arith.constant 0.000000e+00 : f32
    %broadcast_in_dim3A_5 = vector.broadcast %broadcast_in_dim3A : f32 to vector<16xf32>
    %scan3A = arith.constant 0 : i32
    %scan3A_6 = arith.constant 36 : i32
    %scan3A_7 = arith.addi %scan3A, %scan3A_6 : i32
    %scan3A_8 = arith.constant 1 : i32
    %scan3A_9 = scf.for %scan3A_500 = %scan3A to %scan3A_7 step %scan3A_8 iter_args(%scan3A_501 = %broadcast_in_dim3A_5) -> (vector<16xf32>)  : i32 {
      %mul3A_502 = arith.constant 16 : i32
      %mul3A_503 = arith.muli %scan3A_500, %mul3A_502 : i32
      %multiple_of3A_504 = tpu.assume_multiple %mul3A_503, 16 : i32
      %get3A = arith.index_cast %multiple_of3A_504 : i32 to index
      %get3A_505 = tpu.vector_load %arg7[%get3A] {strides = array<i32>} : memref<576xi32, #tpu.memory_space<vmem>>, vector<16xi32>,
      %broadcast_in_dim3A_506 = arith.constant 0.000000e+00 : f32
      %broadcast_in_dim3A_507 = vector.broadcast %broadcast_in_dim3A_506 : f32 to vector<16xf32>
      %broadcast_in_dim3A_508 = arith.constant 0 : i32
      %broadcast_in_dim3A_509 = vector.broadcast %broadcast_in_dim3A_508 : i32 to vector<16xi32>
      %gather3A_510 = tpu.vector_load_idx %arg8[%broadcast_in_dim3A_509, %get3A_505] : memref<32x2048xf32, #tpu.memory_space<vmem>>[vector<16xi32>, vector<16xi32>], vector<16xf32>,
      %add3A_511 = arith.addf %broadcast_in_dim3A_507, %gather3A_510 : vector<16xf32>
      %broadcast_in_dim3A_512 = arith.constant 1 : i32
      %broadcast_in_dim3A_513 = vector.broadcast %broadcast_in_dim3A_512 : i32 to vector<16xi32>
      %gather3A_514 = tpu.vector_load_idx %arg8[%broadcast_in_dim3A_513, %get3A_505] : memref<32x2048xf32, #tpu.memory_space<vmem>>[vector<16xi32>, vector<16xi32>], vector<16xf32>,
      %add3A_515 = arith.addf %add3A_511, %gather3A_514 : vector<16xf32>
      %broadcast_in_dim3A_516 = arith.constant 2 : i32
      %broadcast_in_dim3A_517 = vector.broadcast %broadcast_in_dim3A_516 : i32 to vector<16xi32>
      %gather3A_518 = tpu.vector_load_idx %arg8[%broadcast_in_dim3A_517, %get3A_505] : memref<32x2048xf32, #tpu.memory_space<vmem>>[vector<16xi32>, vector<16xi32>], vector<16xf32>,
      %add3A_519 = arith.addf %add3A_515, %gather3A_518 : vector<16xf32>
      %broadcast_in_dim3A_520 = arith.constant 3 : i32
      %broadcast_in_dim3A_521 = vector.broadcast %broadcast_in_dim3A_520 : i32 to vector<16xi32>
      %gather3A_522 = tpu.vector_load_idx %arg8[%broadcast_in_dim3A_521, %get3A_505] : memref<32x2048xf32, #tpu.memory_space<vmem>>[vector<16xi32>, vector<16xi32>], vector<16xf32>,
      %add3A_523 = arith.addf %add3A_519, %gather3A_522 : vector<16xf32>
      %broadcast_in_dim3A_524 = arith.constant 4 : i32
      %broadcast_in_dim3A_525 = vector.broadcast %broadcast_in_dim3A_524 : i32 to vector<16xi32>
      %gather3A_526 = tpu.vector_load_idx %arg8[%broadcast_in_dim3A_525, %get3A_505] : memref<32x2048xf32, #tpu.memory_space<vmem>>[vector<16xi32>, vector<16xi32>], vector<16xf32>,
      %add3A_527 = arith.addf %add3A_523, %gather3A_526 : vector<16xf32>
      %broadcast_in_dim3A_528 = arith.constant 5 : i32
      %broadcast_in_dim3A_529 = vector.broadcast %broadcast_in_dim3A_528 : i32 to vector<16xi32>
      %gather3A_530 = tpu.vector_load_idx %arg8[%broadcast_in_dim3A_529, %get3A_505] : memref<32x2048xf32, #tpu.memory_space<vmem>>[vector<16xi32>, vector<16xi32>], vector<16xf32>,
      %swap3A_531 = arith.constant 0 : i32
      %swap3A_532 = arith.index_cast %swap3A_531 : i32 to index
      %swap3A_533 = arith.index_cast %multiple_of3A_504 : i32 to index
      %swap3A_534 = tpu.vector_load %arg9[%swap3A_532, %swap3A_533] {strides = array<i32>} : memref<4x576xf32, #tpu.memory_space<vmem>>, vector<16xf32>,
      tpu.vector_store %arg9[%swap3A_532, %swap3A_533], %gather3A_530 {strides = array<i32>} : memref<4x576xf32, #tpu.memory_space<vmem>>, vector<16xf32>,
      %add3A_535 = arith.addf %scan3A_501, %add3A_527 : vector<16xf32>
      scf.yield %add3A_535 : vector<16xf32>
    }
    %scan3A_10 = arith.constant 36 : i32
    %swap3A = arith.constant 0 : i32
    %swap3A_11 = arith.index_cast %swap3A : i32 to index
    %swap3A_12 = arith.constant 0 : index
    %swap3A_13 = tpu.vector_load %arg10[%swap3A_11, %swap3A_12] {strides = array<i32>} : memref<4x16xf32, #tpu.memory_space<vmem>>, vector<16xf32>,
    tpu.vector_store %arg10[%swap3A_11, %swap3A_12], %scan3A_9 {strides = array<i32>} : memref<4x16xf32, #tpu.memory_space<vmem>>, vector<16xf32>,
    %broadcast_in_dim3A_14 = arith.constant 0.000000e+00 : f32
    %broadcast_in_dim3A_15 = vector.broadcast %broadcast_in_dim3A_14 : f32 to vector<16xf32>
    %scan3A_16 = arith.constant 0 : i32
    %scan3A_17 = arith.constant 36 : i32
    %scan3A_18 = arith.addi %scan3A_16, %scan3A_17 : i32
    %scan3A_19 = arith.constant 1 : i32
    %scan3A_20 = scf.for %scan3A_500 = %scan3A_16 to %scan3A_18 step %scan3A_19 iter_args(%scan3A_501 = %broadcast_in_dim3A_15) -> (vector<16xf32>)  : i32 {
      %mul3A_502 = arith.constant 16 : i32
      %mul3A_503 = arith.muli %scan3A_500, %mul3A_502 : i32
      %multiple_of3A_504 = tpu.assume_multiple %mul3A_503, 16 : i32
      %get3A = arith.index_cast %multiple_of3A_504 : i32 to index
      %get3A_505 = tpu.vector_load %arg7[%get3A] {strides = array<i32>} : memref<576xi32, #tpu.memory_space<vmem>>, vector<16xi32>,
      %broadcast_in_dim3A_506 = arith.constant 0.000000e+00 : f32
      %broadcast_in_dim3A_507 = vector.broadcast %broadcast_in_dim3A_506 : f32 to vector<16xf32>
      %broadcast_in_dim3A_508 = arith.constant 8 : i32
      %broadcast_in_dim3A_509 = vector.broadcast %broadcast_in_dim3A_508 : i32 to vector<16xi32>
      %gather3A_510 = tpu.vector_load_idx %arg8[%broadcast_in_dim3A_509, %get3A_505] : memref<32x2048xf32, #tpu.memory_space<vmem>>[vector<16xi32>, vector<16xi32>], vector<16xf32>,
      %add3A_511 = arith.addf %broadcast_in_dim3A_507, %gather3A_510 : vector<16xf32>
      %broadcast_in_dim3A_512 = arith.constant 9 : i32
      %broadcast_in_dim3A_513 = vector.broadcast %broadcast_in_dim3A_512 : i32 to vector<16xi32>
      %gather3A_514 = tpu.vector_load_idx %arg8[%broadcast_in_dim3A_513, %get3A_505] : memref<32x2048xf32, #tpu.memory_space<vmem>>[vector<16xi32>, vector<16xi32>], vector<16xf32>,
      %add3A_515 = arith.addf %add3A_511, %gather3A_514 : vector<16xf32>
      %broadcast_in_dim3A_516 = arith.constant 10 : i32
      %broadcast_in_dim3A_517 = vector.broadcast %broadcast_in_dim3A_516 : i32 to vector<16xi32>
      %gather3A_518 = tpu.vector_load_idx %arg8[%broadcast_in_dim3A_517, %get3A_505] : memref<32x2048xf32, #tpu.memory_space<vmem>>[vector<16xi32>, vector<16xi32>], vector<16xf32>,
      %add3A_519 = arith.addf %add3A_515, %gather3A_518 : vector<16xf32>
      %broadcast_in_dim3A_520 = arith.constant 11 : i32
      %broadcast_in_dim3A_521 = vector.broadcast %broadcast_in_dim3A_520 : i32 to vector<16xi32>
      %gather3A_522 = tpu.vector_load_idx %arg8[%broadcast_in_dim3A_521, %get3A_505] : memref<32x2048xf32, #tpu.memory_space<vmem>>[vector<16xi32>, vector<16xi32>], vector<16xf32>,
      %add3A_523 = arith.addf %add3A_519, %gather3A_522 : vector<16xf32>
      %broadcast_in_dim3A_524 = arith.constant 12 : i32
      %broadcast_in_dim3A_525 = vector.broadcast %broadcast_in_dim3A_524 : i32 to vector<16xi32>
      %gather3A_526 = tpu.vector_load_idx %arg8[%broadcast_in_dim3A_525, %get3A_505] : memref<32x2048xf32, #tpu.memory_space<vmem>>[vector<16xi32>, vector<16xi32>], vector<16xf32>,
      %add3A_527 = arith.addf %add3A_523, %gather3A_526 : vector<16xf32>
      %broadcast_in_dim3A_528 = arith.constant 13 : i32
      %broadcast_in_dim3A_529 = vector.broadcast %broadcast_in_dim3A_528 : i32 to vector<16xi32>
      %gather3A_530 = tpu.vector_load_idx %arg8[%broadcast_in_dim3A_529, %get3A_505] : memref<32x2048xf32, #tpu.memory_space<vmem>>[vector<16xi32>, vector<16xi32>], vector<16xf32>,
      %swap3A_531 = arith.constant 1 : i32
      %swap3A_532 = arith.index_cast %swap3A_531 : i32 to index
      %swap3A_533 = arith.index_cast %multiple_of3A_504 : i32 to index
      %swap3A_534 = tpu.vector_load %arg9[%swap3A_532, %swap3A_533] {strides = array<i32>} : memref<4x576xf32, #tpu.memory_space<vmem>>, vector<16xf32>,
      tpu.vector_store %arg9[%swap3A_532, %swap3A_533], %gather3A_530 {strides = array<i32>} : memref<4x576xf32, #tpu.memory_space<vmem>>, vector<16xf32>,
      %add3A_535 = arith.addf %scan3A_501, %add3A_527 : vector<16xf32>
      scf.yield %add3A_535 : vector<16xf32>
    }
    %scan3A_21 = arith.constant 36 : i32
    %swap3A_22 = arith.constant 1 : i32
    %swap3A_23 = arith.index_cast %swap3A_22 : i32 to index
    %swap3A_24 = arith.constant 0 : index
    %swap3A_25 = tpu.vector_load %arg10[%swap3A_23, %swap3A_24] {strides = array<i32>} : memref<4x16xf32, #tpu.memory_space<vmem>>, vector<16xf32>,
    tpu.vector_store %arg10[%swap3A_23, %swap3A_24], %scan3A_20 {strides = array<i32>} : memref<4x16xf32, #tpu.memory_space<vmem>>, vector<16xf32>,
    %broadcast_in_dim3A_26 = arith.constant 0.000000e+00 : f32
    %broadcast_in_dim3A_27 = vector.broadcast %broadcast_in_dim3A_26 : f32 to vector<16xf32>
    %scan3A_28 = arith.constant 0 : i32
    %scan3A_29 = arith.constant 36 : i32
    %scan3A_30 = arith.addi %scan3A_28, %scan3A_29 : i32
    %scan3A_31 = arith.constant 1 : i32
    %scan3A_32 = scf.for %scan3A_500 = %scan3A_28 to %scan3A_30 step %scan3A_31 iter_args(%scan3A_501 = %broadcast_in_dim3A_27) -> (vector<16xf32>)  : i32 {
      %mul3A_502 = arith.constant 16 : i32
      %mul3A_503 = arith.muli %scan3A_500, %mul3A_502 : i32
      %multiple_of3A_504 = tpu.assume_multiple %mul3A_503, 16 : i32
      %get3A = arith.index_cast %multiple_of3A_504 : i32 to index
      %get3A_505 = tpu.vector_load %arg7[%get3A] {strides = array<i32>} : memref<576xi32, #tpu.memory_space<vmem>>, vector<16xi32>,
      %broadcast_in_dim3A_506 = arith.constant 0.000000e+00 : f32
      %broadcast_in_dim3A_507 = vector.broadcast %broadcast_in_dim3A_506 : f32 to vector<16xf32>
      %broadcast_in_dim3A_508 = arith.constant 16 : i32
      %broadcast_in_dim3A_509 = vector.broadcast %broadcast_in_dim3A_508 : i32 to vector<16xi32>
      %gather3A_510 = tpu.vector_load_idx %arg8[%broadcast_in_dim3A_509, %get3A_505] : memref<32x2048xf32, #tpu.memory_space<vmem>>[vector<16xi32>, vector<16xi32>], vector<16xf32>,
      %add3A_511 = arith.addf %broadcast_in_dim3A_507, %gather3A_510 : vector<16xf32>
      %broadcast_in_dim3A_512 = arith.constant 17 : i32
      %broadcast_in_dim3A_513 = vector.broadcast %broadcast_in_dim3A_512 : i32 to vector<16xi32>
      %gather3A_514 = tpu.vector_load_idx %arg8[%broadcast_in_dim3A_513, %get3A_505] : memref<32x2048xf32, #tpu.memory_space<vmem>>[vector<16xi32>, vector<16xi32>], vector<16xf32>,
      %add3A_515 = arith.addf %add3A_511, %gather3A_514 : vector<16xf32>
      %broadcast_in_dim3A_516 = arith.constant 18 : i32
      %broadcast_in_dim3A_517 = vector.broadcast %broadcast_in_dim3A_516 : i32 to vector<16xi32>
      %gather3A_518 = tpu.vector_load_idx %arg8[%broadcast_in_dim3A_517, %get3A_505] : memref<32x2048xf32, #tpu.memory_space<vmem>>[vector<16xi32>, vector<16xi32>], vector<16xf32>,
      %add3A_519 = arith.addf %add3A_515, %gather3A_518 : vector<16xf32>
      %broadcast_in_dim3A_520 = arith.constant 19 : i32
      %broadcast_in_dim3A_521 = vector.broadcast %broadcast_in_dim3A_520 : i32 to vector<16xi32>
      %gather3A_522 = tpu.vector_load_idx %arg8[%broadcast_in_dim3A_521, %get3A_505] : memref<32x2048xf32, #tpu.memory_space<vmem>>[vector<16xi32>, vector<16xi32>], vector<16xf32>,
      %add3A_523 = arith.addf %add3A_519, %gather3A_522 : vector<16xf32>
      %broadcast_in_dim3A_524 = arith.constant 20 : i32
      %broadcast_in_dim3A_525 = vector.broadcast %broadcast_in_dim3A_524 : i32 to vector<16xi32>
      %gather3A_526 = tpu.vector_load_idx %arg8[%broadcast_in_dim3A_525, %get3A_505] : memref<32x2048xf32, #tpu.memory_space<vmem>>[vector<16xi32>, vector<16xi32>], vector<16xf32>,
      %add3A_527 = arith.addf %add3A_523, %gather3A_526 : vector<16xf32>
      %broadcast_in_dim3A_528 = arith.constant 21 : i32
      %broadcast_in_dim3A_529 = vector.broadcast %broadcast_in_dim3A_528 : i32 to vector<16xi32>
      %gather3A_530 = tpu.vector_load_idx %arg8[%broadcast_in_dim3A_529, %get3A_505] : memref<32x2048xf32, #tpu.memory_space<vmem>>[vector<16xi32>, vector<16xi32>], vector<16xf32>,
      %swap3A_531 = arith.constant 2 : i32
      %swap3A_532 = arith.index_cast %swap3A_531 : i32 to index
      %swap3A_533 = arith.index_cast %multiple_of3A_504 : i32 to index
      %swap3A_534 = tpu.vector_load %arg9[%swap3A_532, %swap3A_533] {strides = array<i32>} : memref<4x576xf32, #tpu.memory_space<vmem>>, vector<16xf32>,
      tpu.vector_store %arg9[%swap3A_532, %swap3A_533], %gather3A_530 {strides = array<i32>} : memref<4x576xf32, #tpu.memory_space<vmem>>, vector<16xf32>,
      %add3A_535 = arith.addf %scan3A_501, %add3A_527 : vector<16xf32>
      scf.yield %add3A_535 : vector<16xf32>
    }
    %scan3A_33 = arith.constant 36 : i32
    %swap3A_34 = arith.constant 2 : i32
    %swap3A_35 = arith.index_cast %swap3A_34 : i32 to index
    %swap3A_36 = arith.constant 0 : index
    %swap3A_37 = tpu.vector_load %arg10[%swap3A_35, %swap3A_36] {strides = array<i32>} : memref<4x16xf32, #tpu.memory_space<vmem>>, vector<16xf32>,
    tpu.vector_store %arg10[%swap3A_35, %swap3A_36], %scan3A_32 {strides = array<i32>} : memref<4x16xf32, #tpu.memory_space<vmem>>, vector<16xf32>,
    %broadcast_in_dim3A_38 = arith.constant 0.000000e+00 : f32
    %broadcast_in_dim3A_39 = vector.broadcast %broadcast_in_dim3A_38 : f32 to vector<16xf32>
    %scan3A_40 = arith.constant 0 : i32
    %scan3A_41 = arith.constant 36 : i32
    %scan3A_42 = arith.addi %scan3A_40, %scan3A_41 : i32
    %scan3A_43 = arith.constant 1 : i32
    %scan3A_44 = scf.for %scan3A_500 = %scan3A_40 to %scan3A_42 step %scan3A_43 iter_args(%scan3A_501 = %broadcast_in_dim3A_39) -> (vector<16xf32>)  : i32 {
      %mul3A_502 = arith.constant 16 : i32
      %mul3A_503 = arith.muli %scan3A_500, %mul3A_502 : i32
      %multiple_of3A_504 = tpu.assume_multiple %mul3A_503, 16 : i32
      %get3A = arith.index_cast %multiple_of3A_504 : i32 to index
      %get3A_505 = tpu.vector_load %arg7[%get3A] {strides = array<i32>} : memref<576xi32, #tpu.memory_space<vmem>>, vector<16xi32>,
      %broadcast_in_dim3A_506 = arith.constant 0.000000e+00 : f32
      %broadcast_in_dim3A_507 = vector.broadcast %broadcast_in_dim3A_506 : f32 to vector<16xf32>
      %broadcast_in_dim3A_508 = arith.constant 24 : i32
      %broadcast_in_dim3A_509 = vector.broadcast %broadcast_in_dim3A_508 : i32 to vector<16xi32>
      %gather3A_510 = tpu.vector_load_idx %arg8[%broadcast_in_dim3A_509, %get3A_505] : memref<32x2048xf32, #tpu.memory_space<vmem>>[vector<16xi32>, vector<16xi32>], vector<16xf32>,
      %add3A_511 = arith.addf %broadcast_in_dim3A_507, %gather3A_510 : vector<16xf32>
      %broadcast_in_dim3A_512 = arith.constant 25 : i32
      %broadcast_in_dim3A_513 = vector.broadcast %broadcast_in_dim3A_512 : i32 to vector<16xi32>
      %gather3A_514 = tpu.vector_load_idx %arg8[%broadcast_in_dim3A_513, %get3A_505] : memref<32x2048xf32, #tpu.memory_space<vmem>>[vector<16xi32>, vector<16xi32>], vector<16xf32>,
      %add3A_515 = arith.addf %add3A_511, %gather3A_514 : vector<16xf32>
      %broadcast_in_dim3A_516 = arith.constant 26 : i32
      %broadcast_in_dim3A_517 = vector.broadcast %broadcast_in_dim3A_516 : i32 to vector<16xi32>
      %gather3A_518 = tpu.vector_load_idx %arg8[%broadcast_in_dim3A_517, %get3A_505] : memref<32x2048xf32, #tpu.memory_space<vmem>>[vector<16xi32>, vector<16xi32>], vector<16xf32>,
      %add3A_519 = arith.addf %add3A_515, %gather3A_518 : vector<16xf32>
      %broadcast_in_dim3A_520 = arith.constant 27 : i32
      %broadcast_in_dim3A_521 = vector.broadcast %broadcast_in_dim3A_520 : i32 to vector<16xi32>
      %gather3A_522 = tpu.vector_load_idx %arg8[%broadcast_in_dim3A_521, %get3A_505] : memref<32x2048xf32, #tpu.memory_space<vmem>>[vector<16xi32>, vector<16xi32>], vector<16xf32>,
      %add3A_523 = arith.addf %add3A_519, %gather3A_522 : vector<16xf32>
      %broadcast_in_dim3A_524 = arith.constant 28 : i32
      %broadcast_in_dim3A_525 = vector.broadcast %broadcast_in_dim3A_524 : i32 to vector<16xi32>
      %gather3A_526 = tpu.vector_load_idx %arg8[%broadcast_in_dim3A_525, %get3A_505] : memref<32x2048xf32, #tpu.memory_space<vmem>>[vector<16xi32>, vector<16xi32>], vector<16xf32>,
      %add3A_527 = arith.addf %add3A_523, %gather3A_526 : vector<16xf32>
      %broadcast_in_dim3A_528 = arith.constant 29 : i32
      %broadcast_in_dim3A_529 = vector.broadcast %broadcast_in_dim3A_528 : i32 to vector<16xi32>
      %gather3A_530 = tpu.vector_load_idx %arg8[%broadcast_in_dim3A_529, %get3A_505] : memref<32x2048xf32, #tpu.memory_space<vmem>>[vector<16xi32>, vector<16xi32>], vector<16xf32>,
      %swap3A_531 = arith.constant 3 : i32
      %swap3A_532 = arith.index_cast %swap3A_531 : i32 to index
      %swap3A_533 = arith.index_cast %multiple_of3A_504 : i32 to index
      %swap3A_534 = tpu.vector_load %arg9[%swap3A_532, %swap3A_533] {strides = array<i32>} : memref<4x576xf32, #tpu.memory_space<vmem>>, vector<16xf32>,
      tpu.vector_store %arg9[%swap3A_532, %swap3A_533], %gather3A_530 {strides = array<i32>} : memref<4x576xf32, #tpu.memory_space<vmem>>, vector<16xf32>,
      %add3A_535 = arith.addf %scan3A_501, %add3A_527 : vector<16xf32>
      scf.yield %add3A_535 : vector<16xf32>
    }
    %scan3A_45 = arith.constant 36 : i32
    %swap3A_46 = arith.constant 3 : i32
    %swap3A_47 = arith.index_cast %swap3A_46 : i32 to index
    %swap3A_48 = arith.constant 0 : index
    %swap3A_49 = tpu.vector_load %arg10[%swap3A_47, %swap3A_48] {strides = array<i32>} : memref<4x16xf32, #tpu.memory_space<vmem>>, vector<16xf32>,
    tpu.vector_store %arg10[%swap3A_47, %swap3A_48], %scan3A_44 {strides = array<i32>} : memref<4x16xf32, #tpu.memory_space<vmem>>, vector<16xf32>,
    %mul3A_50 = arith.constant 4 : i32
    %mul3A_51 = arith.muli %arg1, %mul3A_50 : i32
    %multiple_of3A_52 = tpu.assume_multiple %mul3A_51, 4 : i32
    "tpu.region"() ({
      %run_scoped3A = tpu.sem_alloc : memref<!tpu.dma_semaphore, #tpu.memory_space<semaphore_mem>>
      %dma_start3A_500 = arith.constant 0 : i32
      %dma_start3A_501 = tpu.memref_slice %arg15[%multiple_of3A_52, %dma_start3A_500] : memref<64x16xf32, #tpu.memory_space<vmem_shared>> -> memref<4x16xf32, #tpu.memory_space<vmem_shared>>
      %dma_start3A_502 = arith.constant 0 : i32
      %dma_start3A_503 = tpu.memref_slice %arg15[%multiple_of3A_52, %dma_start3A_502] : memref<64x16xf32, #tpu.memory_space<vmem_shared>> -> memref<4x16xf32, #tpu.memory_space<vmem_shared>>
      tpu.enqueue_dma source(%arg10 : memref<4x16xf32, #tpu.memory_space<vmem>>) target(%dma_start3A_503 : memref<4x16xf32, #tpu.memory_space<vmem_shared>>) target_semaphore(%run_scoped3A : memref<!tpu.dma_semaphore, #tpu.memory_space<semaphore_mem>>)
      %dma_wait3A_504 = arith.constant 0 : i32
      %dma_wait3A_505 = tpu.memref_slice %arg15[%multiple_of3A_52, %dma_wait3A_504] : memref<64x16xf32, #tpu.memory_space<vmem_shared>> -> memref<4x16xf32, #tpu.memory_space<vmem_shared>>
      %dma_wait3A_506 = arith.constant 0 : i32
      %dma_wait3A_507 = tpu.memref_slice %arg15[%multiple_of3A_52, %dma_wait3A_506] : memref<64x16xf32, #tpu.memory_space<vmem_shared>> -> memref<4x16xf32, #tpu.memory_space<vmem_shared>>
      tpu.wait_dma2 semaphore(%run_scoped3A : memref<!tpu.dma_semaphore, #tpu.memory_space<semaphore_mem>>) src(%arg10 : memref<4x16xf32, #tpu.memory_space<vmem>>) dst(%dma_wait3A_507 : memref<4x16xf32, #tpu.memory_space<vmem_shared>>)
      tpu.yield
    }) : () -> ()
    %barrier3A = arith.constant 0 : index
    tpu.barrier barrier_id(%barrier3A)
    "tpu.region"() ({
      %run_scoped3A = tpu.sem_alloc : memref<!tpu.dma_semaphore, #tpu.memory_space<semaphore_mem>>
      tpu.enqueue_dma source(%arg15 : memref<64x16xf32, #tpu.memory_space<vmem_shared>>) target(%arg11 : memref<64x16xf32, #tpu.memory_space<vmem>>) target_semaphore(%run_scoped3A : memref<!tpu.dma_semaphore, #tpu.memory_space<semaphore_mem>>)
      tpu.wait_dma2 semaphore(%run_scoped3A : memref<!tpu.dma_semaphore, #tpu.memory_space<semaphore_mem>>) src(%arg15 : memref<64x16xf32, #tpu.memory_space<vmem_shared>>) dst(%arg11 : memref<64x16xf32, #tpu.memory_space<vmem>>)
      tpu.yield
    }) : () -> ()
    %broadcast_in_dim3A_53 = arith.constant 0.000000e+00 : f32
    %broadcast_in_dim3A_54 = vector.broadcast %broadcast_in_dim3A_53 : f32 to vector<16xf32>
    %add3A = arith.constant 0 : i32
    %add3A_55 = vector.broadcast %add3A : i32 to vector<16xi32>
    %add3A_56 = arith.addi %iota3A, %add3A_55 : vector<16xi32>
    %broadcast_in_dim3A_57 = arith.constant 0 : i32
    %broadcast_in_dim3A_58 = vector.broadcast %broadcast_in_dim3A_57 : i32 to vector<16xi32>
    %gather3A = tpu.vector_load_idx %arg11[%add3A_56, %broadcast_in_dim3A_58] : memref<64x16xf32, #tpu.memory_space<vmem>>[vector<16xi32>, vector<16xi32>], vector<16xf32>,
    %add3A_59 = arith.addf %broadcast_in_dim3A_54, %gather3A : vector<16xf32>
    %broadcast_in_dim3A_60 = arith.constant 1 : i32
    %broadcast_in_dim3A_61 = vector.broadcast %broadcast_in_dim3A_60 : i32 to vector<16xi32>
    %gather3A_62 = tpu.vector_load_idx %arg11[%add3A_56, %broadcast_in_dim3A_61] : memref<64x16xf32, #tpu.memory_space<vmem>>[vector<16xi32>, vector<16xi32>], vector<16xf32>,
    %add3A_63 = arith.addf %add3A_59, %gather3A_62 : vector<16xf32>
    %broadcast_in_dim3A_64 = arith.constant 2 : i32
    %broadcast_in_dim3A_65 = vector.broadcast %broadcast_in_dim3A_64 : i32 to vector<16xi32>
    %gather3A_66 = tpu.vector_load_idx %arg11[%add3A_56, %broadcast_in_dim3A_65] : memref<64x16xf32, #tpu.memory_space<vmem>>[vector<16xi32>, vector<16xi32>], vector<16xf32>,
    %add3A_67 = arith.addf %add3A_63, %gather3A_66 : vector<16xf32>
    %broadcast_in_dim3A_68 = arith.constant 3 : i32
    %broadcast_in_dim3A_69 = vector.broadcast %broadcast_in_dim3A_68 : i32 to vector<16xi32>
    %gather3A_70 = tpu.vector_load_idx %arg11[%add3A_56, %broadcast_in_dim3A_69] : memref<64x16xf32, #tpu.memory_space<vmem>>[vector<16xi32>, vector<16xi32>], vector<16xf32>,
    %add3A_71 = arith.addf %add3A_67, %gather3A_70 : vector<16xf32>
    %broadcast_in_dim3A_72 = arith.constant 4 : i32
    %broadcast_in_dim3A_73 = vector.broadcast %broadcast_in_dim3A_72 : i32 to vector<16xi32>
    %gather3A_74 = tpu.vector_load_idx %arg11[%add3A_56, %broadcast_in_dim3A_73] : memref<64x16xf32, #tpu.memory_space<vmem>>[vector<16xi32>, vector<16xi32>], vector<16xf32>,
    %add3A_75 = arith.addf %add3A_71, %gather3A_74 : vector<16xf32>
    %broadcast_in_dim3A_76 = arith.constant 5 : i32
    %broadcast_in_dim3A_77 = vector.broadcast %broadcast_in_dim3A_76 : i32 to vector<16xi32>
    %gather3A_78 = tpu.vector_load_idx %arg11[%add3A_56, %broadcast_in_dim3A_77] : memref<64x16xf32, #tpu.memory_space<vmem>>[vector<16xi32>, vector<16xi32>], vector<16xf32>,
    %add3A_79 = arith.addf %add3A_75, %gather3A_78 : vector<16xf32>
    %broadcast_in_dim3A_80 = arith.constant 6 : i32
    %broadcast_in_dim3A_81 = vector.broadcast %broadcast_in_dim3A_80 : i32 to vector<16xi32>
    %gather3A_82 = tpu.vector_load_idx %arg11[%add3A_56, %broadcast_in_dim3A_81] : memref<64x16xf32, #tpu.memory_space<vmem>>[vector<16xi32>, vector<16xi32>], vector<16xf32>,
    %add3A_83 = arith.addf %add3A_79, %gather3A_82 : vector<16xf32>
    %broadcast_in_dim3A_84 = arith.constant 7 : i32
    %broadcast_in_dim3A_85 = vector.broadcast %broadcast_in_dim3A_84 : i32 to vector<16xi32>
    %gather3A_86 = tpu.vector_load_idx %arg11[%add3A_56, %broadcast_in_dim3A_85] : memref<64x16xf32, #tpu.memory_space<vmem>>[vector<16xi32>, vector<16xi32>], vector<16xf32>,
    %add3A_87 = arith.addf %add3A_83, %gather3A_86 : vector<16xf32>
    %broadcast_in_dim3A_88 = arith.constant 8 : i32
    %broadcast_in_dim3A_89 = vector.broadcast %broadcast_in_dim3A_88 : i32 to vector<16xi32>
    %gather3A_90 = tpu.vector_load_idx %arg11[%add3A_56, %broadcast_in_dim3A_89] : memref<64x16xf32, #tpu.memory_space<vmem>>[vector<16xi32>, vector<16xi32>], vector<16xf32>,
    %add3A_91 = arith.addf %add3A_87, %gather3A_90 : vector<16xf32>
    %broadcast_in_dim3A_92 = arith.constant 9 : i32
    %broadcast_in_dim3A_93 = vector.broadcast %broadcast_in_dim3A_92 : i32 to vector<16xi32>
    %gather3A_94 = tpu.vector_load_idx %arg11[%add3A_56, %broadcast_in_dim3A_93] : memref<64x16xf32, #tpu.memory_space<vmem>>[vector<16xi32>, vector<16xi32>], vector<16xf32>,
    %add3A_95 = arith.addf %add3A_91, %gather3A_94 : vector<16xf32>
    %broadcast_in_dim3A_96 = arith.constant 10 : i32
    %broadcast_in_dim3A_97 = vector.broadcast %broadcast_in_dim3A_96 : i32 to vector<16xi32>
    %gather3A_98 = tpu.vector_load_idx %arg11[%add3A_56, %broadcast_in_dim3A_97] : memref<64x16xf32, #tpu.memory_space<vmem>>[vector<16xi32>, vector<16xi32>], vector<16xf32>,
    %add3A_99 = arith.addf %add3A_95, %gather3A_98 : vector<16xf32>
    %broadcast_in_dim3A_100 = arith.constant 11 : i32
    %broadcast_in_dim3A_101 = vector.broadcast %broadcast_in_dim3A_100 : i32 to vector<16xi32>
    %gather3A_102 = tpu.vector_load_idx %arg11[%add3A_56, %broadcast_in_dim3A_101] : memref<64x16xf32, #tpu.memory_space<vmem>>[vector<16xi32>, vector<16xi32>], vector<16xf32>,
    %add3A_103 = arith.addf %add3A_99, %gather3A_102 : vector<16xf32>
    %broadcast_in_dim3A_104 = arith.constant 12 : i32
    %broadcast_in_dim3A_105 = vector.broadcast %broadcast_in_dim3A_104 : i32 to vector<16xi32>
    %gather3A_106 = tpu.vector_load_idx %arg11[%add3A_56, %broadcast_in_dim3A_105] : memref<64x16xf32, #tpu.memory_space<vmem>>[vector<16xi32>, vector<16xi32>], vector<16xf32>,
    %add3A_107 = arith.addf %add3A_103, %gather3A_106 : vector<16xf32>
    %broadcast_in_dim3A_108 = arith.constant 13 : i32
    %broadcast_in_dim3A_109 = vector.broadcast %broadcast_in_dim3A_108 : i32 to vector<16xi32>
    %gather3A_110 = tpu.vector_load_idx %arg11[%add3A_56, %broadcast_in_dim3A_109] : memref<64x16xf32, #tpu.memory_space<vmem>>[vector<16xi32>, vector<16xi32>], vector<16xf32>,
    %add3A_111 = arith.addf %add3A_107, %gather3A_110 : vector<16xf32>
    %broadcast_in_dim3A_112 = arith.constant 14 : i32
    %broadcast_in_dim3A_113 = vector.broadcast %broadcast_in_dim3A_112 : i32 to vector<16xi32>
    %gather3A_114 = tpu.vector_load_idx %arg11[%add3A_56, %broadcast_in_dim3A_113] : memref<64x16xf32, #tpu.memory_space<vmem>>[vector<16xi32>, vector<16xi32>], vector<16xf32>,
    %add3A_115 = arith.addf %add3A_111, %gather3A_114 : vector<16xf32>
    %broadcast_in_dim3A_116 = arith.constant 15 : i32
    %broadcast_in_dim3A_117 = vector.broadcast %broadcast_in_dim3A_116 : i32 to vector<16xi32>
    %gather3A_118 = tpu.vector_load_idx %arg11[%add3A_56, %broadcast_in_dim3A_117] : memref<64x16xf32, #tpu.memory_space<vmem>>[vector<16xi32>, vector<16xi32>], vector<16xf32>,
    %add3A_119 = arith.addf %add3A_115, %gather3A_118 : vector<16xf32>
    %broadcast_in_dim3A_120 = arith.constant 0.000000e+00 : f32
    %broadcast_in_dim3A_121 = vector.broadcast %broadcast_in_dim3A_120 : f32 to vector<16xf32>
    %add3A_122 = arith.constant 16 : i32
    %add3A_123 = vector.broadcast %add3A_122 : i32 to vector<16xi32>
    %add3A_124 = arith.addi %iota3A, %add3A_123 : vector<16xi32>
    %broadcast_in_dim3A_125 = arith.constant 0 : i32
    %broadcast_in_dim3A_126 = vector.broadcast %broadcast_in_dim3A_125 : i32 to vector<16xi32>
    %gather3A_127 = tpu.vector_load_idx %arg11[%add3A_124, %broadcast_in_dim3A_126] : memref<64x16xf32, #tpu.memory_space<vmem>>[vector<16xi32>, vector<16xi32>], vector<16xf32>,
    %add3A_128 = arith.addf %broadcast_in_dim3A_121, %gather3A_127 : vector<16xf32>
    %broadcast_in_dim3A_129 = arith.constant 1 : i32
    %broadcast_in_dim3A_130 = vector.broadcast %broadcast_in_dim3A_129 : i32 to vector<16xi32>
    %gather3A_131 = tpu.vector_load_idx %arg11[%add3A_124, %broadcast_in_dim3A_130] : memref<64x16xf32, #tpu.memory_space<vmem>>[vector<16xi32>, vector<16xi32>], vector<16xf32>,
    %add3A_132 = arith.addf %add3A_128, %gather3A_131 : vector<16xf32>
    %broadcast_in_dim3A_133 = arith.constant 2 : i32
    %broadcast_in_dim3A_134 = vector.broadcast %broadcast_in_dim3A_133 : i32 to vector<16xi32>
    %gather3A_135 = tpu.vector_load_idx %arg11[%add3A_124, %broadcast_in_dim3A_134] : memref<64x16xf32, #tpu.memory_space<vmem>>[vector<16xi32>, vector<16xi32>], vector<16xf32>,
    %add3A_136 = arith.addf %add3A_132, %gather3A_135 : vector<16xf32>
    %broadcast_in_dim3A_137 = arith.constant 3 : i32
    %broadcast_in_dim3A_138 = vector.broadcast %broadcast_in_dim3A_137 : i32 to vector<16xi32>
    %gather3A_139 = tpu.vector_load_idx %arg11[%add3A_124, %broadcast_in_dim3A_138] : memref<64x16xf32, #tpu.memory_space<vmem>>[vector<16xi32>, vector<16xi32>], vector<16xf32>,
    %add3A_140 = arith.addf %add3A_136, %gather3A_139 : vector<16xf32>
    %broadcast_in_dim3A_141 = arith.constant 4 : i32
    %broadcast_in_dim3A_142 = vector.broadcast %broadcast_in_dim3A_141 : i32 to vector<16xi32>
    %gather3A_143 = tpu.vector_load_idx %arg11[%add3A_124, %broadcast_in_dim3A_142] : memref<64x16xf32, #tpu.memory_space<vmem>>[vector<16xi32>, vector<16xi32>], vector<16xf32>,
    %add3A_144 = arith.addf %add3A_140, %gather3A_143 : vector<16xf32>
    %broadcast_in_dim3A_145 = arith.constant 5 : i32
    %broadcast_in_dim3A_146 = vector.broadcast %broadcast_in_dim3A_145 : i32 to vector<16xi32>
    %gather3A_147 = tpu.vector_load_idx %arg11[%add3A_124, %broadcast_in_dim3A_146] : memref<64x16xf32, #tpu.memory_space<vmem>>[vector<16xi32>, vector<16xi32>], vector<16xf32>,
    %add3A_148 = arith.addf %add3A_144, %gather3A_147 : vector<16xf32>
    %broadcast_in_dim3A_149 = arith.constant 6 : i32
    %broadcast_in_dim3A_150 = vector.broadcast %broadcast_in_dim3A_149 : i32 to vector<16xi32>
    %gather3A_151 = tpu.vector_load_idx %arg11[%add3A_124, %broadcast_in_dim3A_150] : memref<64x16xf32, #tpu.memory_space<vmem>>[vector<16xi32>, vector<16xi32>], vector<16xf32>,
    %add3A_152 = arith.addf %add3A_148, %gather3A_151 : vector<16xf32>
    %broadcast_in_dim3A_153 = arith.constant 7 : i32
    %broadcast_in_dim3A_154 = vector.broadcast %broadcast_in_dim3A_153 : i32 to vector<16xi32>
    %gather3A_155 = tpu.vector_load_idx %arg11[%add3A_124, %broadcast_in_dim3A_154] : memref<64x16xf32, #tpu.memory_space<vmem>>[vector<16xi32>, vector<16xi32>], vector<16xf32>,
    %add3A_156 = arith.addf %add3A_152, %gather3A_155 : vector<16xf32>
    %broadcast_in_dim3A_157 = arith.constant 8 : i32
    %broadcast_in_dim3A_158 = vector.broadcast %broadcast_in_dim3A_157 : i32 to vector<16xi32>
    %gather3A_159 = tpu.vector_load_idx %arg11[%add3A_124, %broadcast_in_dim3A_158] : memref<64x16xf32, #tpu.memory_space<vmem>>[vector<16xi32>, vector<16xi32>], vector<16xf32>,
    %add3A_160 = arith.addf %add3A_156, %gather3A_159 : vector<16xf32>
    %broadcast_in_dim3A_161 = arith.constant 9 : i32
    %broadcast_in_dim3A_162 = vector.broadcast %broadcast_in_dim3A_161 : i32 to vector<16xi32>
    %gather3A_163 = tpu.vector_load_idx %arg11[%add3A_124, %broadcast_in_dim3A_162] : memref<64x16xf32, #tpu.memory_space<vmem>>[vector<16xi32>, vector<16xi32>], vector<16xf32>,
    %add3A_164 = arith.addf %add3A_160, %gather3A_163 : vector<16xf32>
    %broadcast_in_dim3A_165 = arith.constant 10 : i32
    %broadcast_in_dim3A_166 = vector.broadcast %broadcast_in_dim3A_165 : i32 to vector<16xi32>
    %gather3A_167 = tpu.vector_load_idx %arg11[%add3A_124, %broadcast_in_dim3A_166] : memref<64x16xf32, #tpu.memory_space<vmem>>[vector<16xi32>, vector<16xi32>], vector<16xf32>,
    %add3A_168 = arith.addf %add3A_164, %gather3A_167 : vector<16xf32>
    %broadcast_in_dim3A_169 = arith.constant 11 : i32
    %broadcast_in_dim3A_170 = vector.broadcast %broadcast_in_dim3A_169 : i32 to vector<16xi32>
    %gather3A_171 = tpu.vector_load_idx %arg11[%add3A_124, %broadcast_in_dim3A_170] : memref<64x16xf32, #tpu.memory_space<vmem>>[vector<16xi32>, vector<16xi32>], vector<16xf32>,
    %add3A_172 = arith.addf %add3A_168, %gather3A_171 : vector<16xf32>
    %broadcast_in_dim3A_173 = arith.constant 12 : i32
    %broadcast_in_dim3A_174 = vector.broadcast %broadcast_in_dim3A_173 : i32 to vector<16xi32>
    %gather3A_175 = tpu.vector_load_idx %arg11[%add3A_124, %broadcast_in_dim3A_174] : memref<64x16xf32, #tpu.memory_space<vmem>>[vector<16xi32>, vector<16xi32>], vector<16xf32>,
    %add3A_176 = arith.addf %add3A_172, %gather3A_175 : vector<16xf32>
    %broadcast_in_dim3A_177 = arith.constant 13 : i32
    %broadcast_in_dim3A_178 = vector.broadcast %broadcast_in_dim3A_177 : i32 to vector<16xi32>
    %gather3A_179 = tpu.vector_load_idx %arg11[%add3A_124, %broadcast_in_dim3A_178] : memref<64x16xf32, #tpu.memory_space<vmem>>[vector<16xi32>, vector<16xi32>], vector<16xf32>,
    %add3A_180 = arith.addf %add3A_176, %gather3A_179 : vector<16xf32>
    %broadcast_in_dim3A_181 = arith.constant 14 : i32
    %broadcast_in_dim3A_182 = vector.broadcast %broadcast_in_dim3A_181 : i32 to vector<16xi32>
    %gather3A_183 = tpu.vector_load_idx %arg11[%add3A_124, %broadcast_in_dim3A_182] : memref<64x16xf32, #tpu.memory_space<vmem>>[vector<16xi32>, vector<16xi32>], vector<16xf32>,
    %add3A_184 = arith.addf %add3A_180, %gather3A_183 : vector<16xf32>
    %broadcast_in_dim3A_185 = arith.constant 15 : i32
    %broadcast_in_dim3A_186 = vector.broadcast %broadcast_in_dim3A_185 : i32 to vector<16xi32>
    %gather3A_187 = tpu.vector_load_idx %arg11[%add3A_124, %broadcast_in_dim3A_186] : memref<64x16xf32, #tpu.memory_space<vmem>>[vector<16xi32>, vector<16xi32>], vector<16xf32>,
    %add3A_188 = arith.addf %add3A_184, %gather3A_187 : vector<16xf32>
    %broadcast_in_dim3A_189 = arith.constant 0.000000e+00 : f32
    %broadcast_in_dim3A_190 = vector.broadcast %broadcast_in_dim3A_189 : f32 to vector<16xf32>
    %add3A_191 = arith.constant 32 : i32
    %add3A_192 = vector.broadcast %add3A_191 : i32 to vector<16xi32>
    %add3A_193 = arith.addi %iota3A, %add3A_192 : vector<16xi32>
    %broadcast_in_dim3A_194 = arith.constant 0 : i32
    %broadcast_in_dim3A_195 = vector.broadcast %broadcast_in_dim3A_194 : i32 to vector<16xi32>
    %gather3A_196 = tpu.vector_load_idx %arg11[%add3A_193, %broadcast_in_dim3A_195] : memref<64x16xf32, #tpu.memory_space<vmem>>[vector<16xi32>, vector<16xi32>], vector<16xf32>,
    %add3A_197 = arith.addf %broadcast_in_dim3A_190, %gather3A_196 : vector<16xf32>
    %broadcast_in_dim3A_198 = arith.constant 1 : i32
    %broadcast_in_dim3A_199 = vector.broadcast %broadcast_in_dim3A_198 : i32 to vector<16xi32>
    %gather3A_200 = tpu.vector_load_idx %arg11[%add3A_193, %broadcast_in_dim3A_199] : memref<64x16xf32, #tpu.memory_space<vmem>>[vector<16xi32>, vector<16xi32>], vector<16xf32>,
    %add3A_201 = arith.addf %add3A_197, %gather3A_200 : vector<16xf32>
    %broadcast_in_dim3A_202 = arith.constant 2 : i32
    %broadcast_in_dim3A_203 = vector.broadcast %broadcast_in_dim3A_202 : i32 to vector<16xi32>
    %gather3A_204 = tpu.vector_load_idx %arg11[%add3A_193, %broadcast_in_dim3A_203] : memref<64x16xf32, #tpu.memory_space<vmem>>[vector<16xi32>, vector<16xi32>], vector<16xf32>,
    %add3A_205 = arith.addf %add3A_201, %gather3A_204 : vector<16xf32>
    %broadcast_in_dim3A_206 = arith.constant 3 : i32
    %broadcast_in_dim3A_207 = vector.broadcast %broadcast_in_dim3A_206 : i32 to vector<16xi32>
    %gather3A_208 = tpu.vector_load_idx %arg11[%add3A_193, %broadcast_in_dim3A_207] : memref<64x16xf32, #tpu.memory_space<vmem>>[vector<16xi32>, vector<16xi32>], vector<16xf32>,
    %add3A_209 = arith.addf %add3A_205, %gather3A_208 : vector<16xf32>
    %broadcast_in_dim3A_210 = arith.constant 4 : i32
    %broadcast_in_dim3A_211 = vector.broadcast %broadcast_in_dim3A_210 : i32 to vector<16xi32>
    %gather3A_212 = tpu.vector_load_idx %arg11[%add3A_193, %broadcast_in_dim3A_211] : memref<64x16xf32, #tpu.memory_space<vmem>>[vector<16xi32>, vector<16xi32>], vector<16xf32>,
    %add3A_213 = arith.addf %add3A_209, %gather3A_212 : vector<16xf32>
    %broadcast_in_dim3A_214 = arith.constant 5 : i32
    %broadcast_in_dim3A_215 = vector.broadcast %broadcast_in_dim3A_214 : i32 to vector<16xi32>
    %gather3A_216 = tpu.vector_load_idx %arg11[%add3A_193, %broadcast_in_dim3A_215] : memref<64x16xf32, #tpu.memory_space<vmem>>[vector<16xi32>, vector<16xi32>], vector<16xf32>,
    %add3A_217 = arith.addf %add3A_213, %gather3A_216 : vector<16xf32>
    %broadcast_in_dim3A_218 = arith.constant 6 : i32
    %broadcast_in_dim3A_219 = vector.broadcast %broadcast_in_dim3A_218 : i32 to vector<16xi32>
    %gather3A_220 = tpu.vector_load_idx %arg11[%add3A_193, %broadcast_in_dim3A_219] : memref<64x16xf32, #tpu.memory_space<vmem>>[vector<16xi32>, vector<16xi32>], vector<16xf32>,
    %add3A_221 = arith.addf %add3A_217, %gather3A_220 : vector<16xf32>
    %broadcast_in_dim3A_222 = arith.constant 7 : i32
    %broadcast_in_dim3A_223 = vector.broadcast %broadcast_in_dim3A_222 : i32 to vector<16xi32>
    %gather3A_224 = tpu.vector_load_idx %arg11[%add3A_193, %broadcast_in_dim3A_223] : memref<64x16xf32, #tpu.memory_space<vmem>>[vector<16xi32>, vector<16xi32>], vector<16xf32>,
    %add3A_225 = arith.addf %add3A_221, %gather3A_224 : vector<16xf32>
    %broadcast_in_dim3A_226 = arith.constant 8 : i32
    %broadcast_in_dim3A_227 = vector.broadcast %broadcast_in_dim3A_226 : i32 to vector<16xi32>
    %gather3A_228 = tpu.vector_load_idx %arg11[%add3A_193, %broadcast_in_dim3A_227] : memref<64x16xf32, #tpu.memory_space<vmem>>[vector<16xi32>, vector<16xi32>], vector<16xf32>,
    %add3A_229 = arith.addf %add3A_225, %gather3A_228 : vector<16xf32>
    %broadcast_in_dim3A_230 = arith.constant 9 : i32
    %broadcast_in_dim3A_231 = vector.broadcast %broadcast_in_dim3A_230 : i32 to vector<16xi32>
    %gather3A_232 = tpu.vector_load_idx %arg11[%add3A_193, %broadcast_in_dim3A_231] : memref<64x16xf32, #tpu.memory_space<vmem>>[vector<16xi32>, vector<16xi32>], vector<16xf32>,
    %add3A_233 = arith.addf %add3A_229, %gather3A_232 : vector<16xf32>
    %broadcast_in_dim3A_234 = arith.constant 10 : i32
    %broadcast_in_dim3A_235 = vector.broadcast %broadcast_in_dim3A_234 : i32 to vector<16xi32>
    %gather3A_236 = tpu.vector_load_idx %arg11[%add3A_193, %broadcast_in_dim3A_235] : memref<64x16xf32, #tpu.memory_space<vmem>>[vector<16xi32>, vector<16xi32>], vector<16xf32>,
    %add3A_237 = arith.addf %add3A_233, %gather3A_236 : vector<16xf32>
    %broadcast_in_dim3A_238 = arith.constant 11 : i32
    %broadcast_in_dim3A_239 = vector.broadcast %broadcast_in_dim3A_238 : i32 to vector<16xi32>
    %gather3A_240 = tpu.vector_load_idx %arg11[%add3A_193, %broadcast_in_dim3A_239] : memref<64x16xf32, #tpu.memory_space<vmem>>[vector<16xi32>, vector<16xi32>], vector<16xf32>,
    %add3A_241 = arith.addf %add3A_237, %gather3A_240 : vector<16xf32>
    %broadcast_in_dim3A_242 = arith.constant 12 : i32
    %broadcast_in_dim3A_243 = vector.broadcast %broadcast_in_dim3A_242 : i32 to vector<16xi32>
    %gather3A_244 = tpu.vector_load_idx %arg11[%add3A_193, %broadcast_in_dim3A_243] : memref<64x16xf32, #tpu.memory_space<vmem>>[vector<16xi32>, vector<16xi32>], vector<16xf32>,
    %add3A_245 = arith.addf %add3A_241, %gather3A_244 : vector<16xf32>
    %broadcast_in_dim3A_246 = arith.constant 13 : i32
    %broadcast_in_dim3A_247 = vector.broadcast %broadcast_in_dim3A_246 : i32 to vector<16xi32>
    %gather3A_248 = tpu.vector_load_idx %arg11[%add3A_193, %broadcast_in_dim3A_247] : memref<64x16xf32, #tpu.memory_space<vmem>>[vector<16xi32>, vector<16xi32>], vector<16xf32>,
    %add3A_249 = arith.addf %add3A_245, %gather3A_248 : vector<16xf32>
    %broadcast_in_dim3A_250 = arith.constant 14 : i32
    %broadcast_in_dim3A_251 = vector.broadcast %broadcast_in_dim3A_250 : i32 to vector<16xi32>
    %gather3A_252 = tpu.vector_load_idx %arg11[%add3A_193, %broadcast_in_dim3A_251] : memref<64x16xf32, #tpu.memory_space<vmem>>[vector<16xi32>, vector<16xi32>], vector<16xf32>,
    %add3A_253 = arith.addf %add3A_249, %gather3A_252 : vector<16xf32>
    %broadcast_in_dim3A_254 = arith.constant 15 : i32
    %broadcast_in_dim3A_255 = vector.broadcast %broadcast_in_dim3A_254 : i32 to vector<16xi32>
    %gather3A_256 = tpu.vector_load_idx %arg11[%add3A_193, %broadcast_in_dim3A_255] : memref<64x16xf32, #tpu.memory_space<vmem>>[vector<16xi32>, vector<16xi32>], vector<16xf32>,
    %add3A_257 = arith.addf %add3A_253, %gather3A_256 : vector<16xf32>
    %broadcast_in_dim3A_258 = arith.constant 0.000000e+00 : f32
    %broadcast_in_dim3A_259 = vector.broadcast %broadcast_in_dim3A_258 : f32 to vector<16xf32>
    %add3A_260 = arith.constant 48 : i32
    %add3A_261 = vector.broadcast %add3A_260 : i32 to vector<16xi32>
    %add3A_262 = arith.addi %iota3A, %add3A_261 : vector<16xi32>
    %broadcast_in_dim3A_263 = arith.constant 0 : i32
    %broadcast_in_dim3A_264 = vector.broadcast %broadcast_in_dim3A_263 : i32 to vector<16xi32>
    %gather3A_265 = tpu.vector_load_idx %arg11[%add3A_262, %broadcast_in_dim3A_264] : memref<64x16xf32, #tpu.memory_space<vmem>>[vector<16xi32>, vector<16xi32>], vector<16xf32>,
    %add3A_266 = arith.addf %broadcast_in_dim3A_259, %gather3A_265 : vector<16xf32>
    %broadcast_in_dim3A_267 = arith.constant 1 : i32
    %broadcast_in_dim3A_268 = vector.broadcast %broadcast_in_dim3A_267 : i32 to vector<16xi32>
    %gather3A_269 = tpu.vector_load_idx %arg11[%add3A_262, %broadcast_in_dim3A_268] : memref<64x16xf32, #tpu.memory_space<vmem>>[vector<16xi32>, vector<16xi32>], vector<16xf32>,
    %add3A_270 = arith.addf %add3A_266, %gather3A_269 : vector<16xf32>
    %broadcast_in_dim3A_271 = arith.constant 2 : i32
    %broadcast_in_dim3A_272 = vector.broadcast %broadcast_in_dim3A_271 : i32 to vector<16xi32>
    %gather3A_273 = tpu.vector_load_idx %arg11[%add3A_262, %broadcast_in_dim3A_272] : memref<64x16xf32, #tpu.memory_space<vmem>>[vector<16xi32>, vector<16xi32>], vector<16xf32>,
    %add3A_274 = arith.addf %add3A_270, %gather3A_273 : vector<16xf32>
    %broadcast_in_dim3A_275 = arith.constant 3 : i32
    %broadcast_in_dim3A_276 = vector.broadcast %broadcast_in_dim3A_275 : i32 to vector<16xi32>
    %gather3A_277 = tpu.vector_load_idx %arg11[%add3A_262, %broadcast_in_dim3A_276] : memref<64x16xf32, #tpu.memory_space<vmem>>[vector<16xi32>, vector<16xi32>], vector<16xf32>,
    %add3A_278 = arith.addf %add3A_274, %gather3A_277 : vector<16xf32>
    %broadcast_in_dim3A_279 = arith.constant 4 : i32
    %broadcast_in_dim3A_280 = vector.broadcast %broadcast_in_dim3A_279 : i32 to vector<16xi32>
    %gather3A_281 = tpu.vector_load_idx %arg11[%add3A_262, %broadcast_in_dim3A_280] : memref<64x16xf32, #tpu.memory_space<vmem>>[vector<16xi32>, vector<16xi32>], vector<16xf32>,
    %add3A_282 = arith.addf %add3A_278, %gather3A_281 : vector<16xf32>
    %broadcast_in_dim3A_283 = arith.constant 5 : i32
    %broadcast_in_dim3A_284 = vector.broadcast %broadcast_in_dim3A_283 : i32 to vector<16xi32>
    %gather3A_285 = tpu.vector_load_idx %arg11[%add3A_262, %broadcast_in_dim3A_284] : memref<64x16xf32, #tpu.memory_space<vmem>>[vector<16xi32>, vector<16xi32>], vector<16xf32>,
    %add3A_286 = arith.addf %add3A_282, %gather3A_285 : vector<16xf32>
    %broadcast_in_dim3A_287 = arith.constant 6 : i32
    %broadcast_in_dim3A_288 = vector.broadcast %broadcast_in_dim3A_287 : i32 to vector<16xi32>
    %gather3A_289 = tpu.vector_load_idx %arg11[%add3A_262, %broadcast_in_dim3A_288] : memref<64x16xf32, #tpu.memory_space<vmem>>[vector<16xi32>, vector<16xi32>], vector<16xf32>,
    %add3A_290 = arith.addf %add3A_286, %gather3A_289 : vector<16xf32>
    %broadcast_in_dim3A_291 = arith.constant 7 : i32
    %broadcast_in_dim3A_292 = vector.broadcast %broadcast_in_dim3A_291 : i32 to vector<16xi32>
    %gather3A_293 = tpu.vector_load_idx %arg11[%add3A_262, %broadcast_in_dim3A_292] : memref<64x16xf32, #tpu.memory_space<vmem>>[vector<16xi32>, vector<16xi32>], vector<16xf32>,
    %add3A_294 = arith.addf %add3A_290, %gather3A_293 : vector<16xf32>
    %broadcast_in_dim3A_295 = arith.constant 8 : i32
    %broadcast_in_dim3A_296 = vector.broadcast %broadcast_in_dim3A_295 : i32 to vector<16xi32>
    %gather3A_297 = tpu.vector_load_idx %arg11[%add3A_262, %broadcast_in_dim3A_296] : memref<64x16xf32, #tpu.memory_space<vmem>>[vector<16xi32>, vector<16xi32>], vector<16xf32>,
    %add3A_298 = arith.addf %add3A_294, %gather3A_297 : vector<16xf32>
    %broadcast_in_dim3A_299 = arith.constant 9 : i32
    %broadcast_in_dim3A_300 = vector.broadcast %broadcast_in_dim3A_299 : i32 to vector<16xi32>
    %gather3A_301 = tpu.vector_load_idx %arg11[%add3A_262, %broadcast_in_dim3A_300] : memref<64x16xf32, #tpu.memory_space<vmem>>[vector<16xi32>, vector<16xi32>], vector<16xf32>,
    %add3A_302 = arith.addf %add3A_298, %gather3A_301 : vector<16xf32>
    %broadcast_in_dim3A_303 = arith.constant 10 : i32
    %broadcast_in_dim3A_304 = vector.broadcast %broadcast_in_dim3A_303 : i32 to vector<16xi32>
    %gather3A_305 = tpu.vector_load_idx %arg11[%add3A_262, %broadcast_in_dim3A_304] : memref<64x16xf32, #tpu.memory_space<vmem>>[vector<16xi32>, vector<16xi32>], vector<16xf32>,
    %add3A_306 = arith.addf %add3A_302, %gather3A_305 : vector<16xf32>
    %broadcast_in_dim3A_307 = arith.constant 11 : i32
    %broadcast_in_dim3A_308 = vector.broadcast %broadcast_in_dim3A_307 : i32 to vector<16xi32>
    %gather3A_309 = tpu.vector_load_idx %arg11[%add3A_262, %broadcast_in_dim3A_308] : memref<64x16xf32, #tpu.memory_space<vmem>>[vector<16xi32>, vector<16xi32>], vector<16xf32>,
    %add3A_310 = arith.addf %add3A_306, %gather3A_309 : vector<16xf32>
    %broadcast_in_dim3A_311 = arith.constant 12 : i32
    %broadcast_in_dim3A_312 = vector.broadcast %broadcast_in_dim3A_311 : i32 to vector<16xi32>
    %gather3A_313 = tpu.vector_load_idx %arg11[%add3A_262, %broadcast_in_dim3A_312] : memref<64x16xf32, #tpu.memory_space<vmem>>[vector<16xi32>, vector<16xi32>], vector<16xf32>,
    %add3A_314 = arith.addf %add3A_310, %gather3A_313 : vector<16xf32>
    %broadcast_in_dim3A_315 = arith.constant 13 : i32
    %broadcast_in_dim3A_316 = vector.broadcast %broadcast_in_dim3A_315 : i32 to vector<16xi32>
    %gather3A_317 = tpu.vector_load_idx %arg11[%add3A_262, %broadcast_in_dim3A_316] : memref<64x16xf32, #tpu.memory_space<vmem>>[vector<16xi32>, vector<16xi32>], vector<16xf32>,
    %add3A_318 = arith.addf %add3A_314, %gather3A_317 : vector<16xf32>
    %broadcast_in_dim3A_319 = arith.constant 14 : i32
    %broadcast_in_dim3A_320 = vector.broadcast %broadcast_in_dim3A_319 : i32 to vector<16xi32>
    %gather3A_321 = tpu.vector_load_idx %arg11[%add3A_262, %broadcast_in_dim3A_320] : memref<64x16xf32, #tpu.memory_space<vmem>>[vector<16xi32>, vector<16xi32>], vector<16xf32>,
    %add3A_322 = arith.addf %add3A_318, %gather3A_321 : vector<16xf32>
    %broadcast_in_dim3A_323 = arith.constant 15 : i32
    %broadcast_in_dim3A_324 = vector.broadcast %broadcast_in_dim3A_323 : i32 to vector<16xi32>
    %gather3A_325 = tpu.vector_load_idx %arg11[%add3A_262, %broadcast_in_dim3A_324] : memref<64x16xf32, #tpu.memory_space<vmem>>[vector<16xi32>, vector<16xi32>], vector<16xf32>,
    %add3A_326 = arith.addf %add3A_322, %gather3A_325 : vector<16xf32>
    %max3A = arith.maximumf %add3A_119, %add3A_188 : vector<16xf32>
    %max3A_327 = arith.maximumf %add3A_257, %add3A_326 : vector<16xf32>
    %max3A_328 = arith.maximumf %max3A, %max3A_327 : vector<16xf32>
    %reduce_max3A = arith.constant true
    %reduce_max3A_329 = vector.broadcast %reduce_max3A : i1 to vector<16xi1>
    %reduce_max3A_330 = tpu.scan <max>, %max3A_328 masked %reduce_max3A_329 : vector<16xf32>, vector<16xi1> -> vector<16xf32>
    %reduce_max3A_331 = vector.extract %reduce_max3A_330[15] : f32 from vector<16xf32>
    %sub3A = vector.broadcast %reduce_max3A_331 : f32 to vector<16xf32>
    %sub3A_332 = arith.subf %add3A_119, %sub3A : vector<16xf32>
    %exp3A = math.exp %sub3A_332 : vector<16xf32>
    %sub3A_333 = vector.broadcast %reduce_max3A_331 : f32 to vector<16xf32>
    %sub3A_334 = arith.subf %add3A_188, %sub3A_333 : vector<16xf32>
    %exp3A_335 = math.exp %sub3A_334 : vector<16xf32>
    %sub3A_336 = vector.broadcast %reduce_max3A_331 : f32 to vector<16xf32>
    %sub3A_337 = arith.subf %add3A_257, %sub3A_336 : vector<16xf32>
    %exp3A_338 = math.exp %sub3A_337 : vector<16xf32>
    %sub3A_339 = vector.broadcast %reduce_max3A_331 : f32 to vector<16xf32>
    %sub3A_340 = arith.subf %add3A_326, %sub3A_339 : vector<16xf32>
    %exp3A_341 = math.exp %sub3A_340 : vector<16xf32>
    %add3A_342 = arith.addf %exp3A, %exp3A_335 : vector<16xf32>
    %add3A_343 = arith.addf %add3A_342, %exp3A_338 : vector<16xf32>
    %add3A_344 = arith.addf %add3A_343, %exp3A_341 : vector<16xf32>
    %reduce_sum3A = arith.constant true
    %reduce_sum3A_345 = vector.broadcast %reduce_sum3A : i1 to vector<16xi1>
    %reduce_sum3A_346 = tpu.scan <sum>, %add3A_344 masked %reduce_sum3A_345 : vector<16xf32>, vector<16xi1> -> vector<16xf32>
    %reduce_sum3A_347 = vector.extract %reduce_sum3A_346[15] : f32 from vector<16xf32>
    %div3A = vector.broadcast %reduce_sum3A_347 : f32 to vector<16xf32>
    %div3A_348 = arith.divf %exp3A, %div3A : vector<16xf32>
    %div3A_349 = vector.broadcast %reduce_sum3A_347 : f32 to vector<16xf32>
    %div3A_350 = arith.divf %exp3A_335, %div3A_349 : vector<16xf32>
    %div3A_351 = vector.broadcast %reduce_sum3A_347 : f32 to vector<16xf32>
    %div3A_352 = arith.divf %exp3A_338, %div3A_351 : vector<16xf32>
    %div3A_353 = vector.broadcast %reduce_sum3A_347 : f32 to vector<16xf32>
    %div3A_354 = arith.divf %exp3A_341, %div3A_353 : vector<16xf32>
    %mul3A_355 = arith.constant 4 : i32
    %mul3A_356 = arith.muli %arg1, %mul3A_355 : i32
    %jit3A = arith.constant 16 : i32
    %div3A_357 = arith.divsi %mul3A_356, %jit3A : i32
    %sign3A = arith.constant 0 : i32
    %sign3A_358 = arith.cmpi sgt, %mul3A_356, %sign3A : i32
    %sign3A_359 = arith.extui %sign3A_358 : i1 to i32
    %sign3A_360 = arith.constant 0 : i32
    %sign3A_361 = arith.cmpi slt, %mul3A_356, %sign3A_360 : i32
    %sign3A_362 = arith.extui %sign3A_361 : i1 to i32
    %sign3A_363 = arith.subi %sign3A_359, %sign3A_362 : i32
    %sign3A_364 = arith.constant 0 : i32
    %sign3A_365 = arith.cmpi sgt, %jit3A, %sign3A_364 : i32
    %sign3A_366 = arith.extui %sign3A_365 : i1 to i32
    %sign3A_367 = arith.constant 0 : i32
    %sign3A_368 = arith.cmpi slt, %jit3A, %sign3A_367 : i32
    %sign3A_369 = arith.extui %sign3A_368 : i1 to i32
    %sign3A_370 = arith.subi %sign3A_366, %sign3A_369 : i32
    %ne3A = arith.cmpi ne, %sign3A_363, %sign3A_370 : i32
    %rem3A = arith.remsi %mul3A_356, %jit3A : i32
    %ne3A_371 = arith.constant 0 : i32
    %ne3A_372 = arith.cmpi ne, %rem3A, %ne3A_371 : i32
    %and3A = arith.andi %ne3A, %ne3A_372 : i1
    %sub3A_373 = arith.constant 1 : i32
    %sub3A_374 = arith.subi %div3A_357, %sub3A_373 : i32
    %select_n3A = arith.select %and3A, %sub3A_374, %div3A_357 : i32
    %eq3A = arith.constant 0 : i32
    %eq3A_375 = arith.cmpi eq, %select_n3A, %eq3A : i32
    %eq3A_376 = arith.constant 1 : i32
    %eq3A_377 = arith.cmpi eq, %select_n3A, %eq3A_376 : i32
    %eq3A_378 = arith.constant 2 : i32
    %eq3A_379 = arith.cmpi eq, %select_n3A, %eq3A_378 : i32
    %select_n3A_380 = arith.select %eq3A_379, %div3A_352, %div3A_354 : vector<16xf32>
    %select_n3A_381 = arith.select %eq3A_377, %div3A_350, %select_n3A_380 : vector<16xf32>
    %select_n3A_382 = arith.select %eq3A_375, %div3A_348, %select_n3A_381 : vector<16xf32>
    %jit3A_383 = arith.constant 16 : i32
    %eq3A_384 = arith.constant 0 : i32
    %eq3A_385 = arith.cmpi eq, %jit3A_383, %eq3A_384 : i32
    %jit3A_386 = arith.constant 1 : i32
    %select_n3A_387 = arith.select %eq3A_385, %jit3A_386, %jit3A_383 : i32
    %rem3A_388 = arith.remsi %mul3A_356, %select_n3A_387 : i32
    %ne3A_389 = arith.constant 0 : i32
    %ne3A_390 = arith.cmpi ne, %rem3A_388, %ne3A_389 : i32
    %lt3A = arith.constant 0 : i32
    %lt3A_391 = arith.cmpi slt, %rem3A_388, %lt3A : i32
    %lt3A_392 = arith.constant 0 : i32
    %lt3A_393 = arith.cmpi slt, %select_n3A_387, %lt3A_392 : i32
    %ne3A_394 = arith.xori %lt3A_391, %lt3A_393 : i1
    %and3A_395 = arith.andi %ne3A_394, %ne3A_390 : i1
    %add3A_396 = arith.addi %rem3A_388, %select_n3A_387 : i32
    %select_n3A_397 = arith.select %and3A_395, %add3A_396, %rem3A_388 : i32
    %add3A_398 = arith.constant 0 : i32
    %add3A_399 = arith.addi %select_n3A_397, %add3A_398 : i32
    %eq3A_400 = vector.broadcast %add3A_399 : i32 to vector<16xi32>
    %eq3A_401 = arith.cmpi eq, %iota3A, %eq3A_400 : vector<16xi32>
    %jit3A_402 = arith.constant 0.000000e+00 : f32
    %broadcast_in_dim3A_403 = vector.broadcast %jit3A_402 : f32 to vector<16xf32>
    %select_n3A_404 = arith.select %eq3A_401, %select_n3A_382, %broadcast_in_dim3A_403 : vector<16xi1>, vector<16xf32>
    %reduce_sum3A_405 = arith.constant true
    %reduce_sum3A_406 = vector.broadcast %reduce_sum3A_405 : i1 to vector<16xi1>
    %reduce_sum3A_407 = tpu.scan <sum>, %select_n3A_404 masked %reduce_sum3A_406 : vector<16xf32>, vector<16xi1> -> vector<16xf32>
    %reduce_sum3A_408 = vector.extract %reduce_sum3A_407[15] : f32 from vector<16xf32>
    %jit3A_409 = arith.constant 16 : i32
    %eq3A_410 = arith.constant 0 : i32
    %eq3A_411 = arith.cmpi eq, %jit3A_409, %eq3A_410 : i32
    %jit3A_412 = arith.constant 1 : i32
    %select_n3A_413 = arith.select %eq3A_411, %jit3A_412, %jit3A_409 : i32
    %rem3A_414 = arith.remsi %mul3A_356, %select_n3A_413 : i32
    %ne3A_415 = arith.constant 0 : i32
    %ne3A_416 = arith.cmpi ne, %rem3A_414, %ne3A_415 : i32
    %lt3A_417 = arith.constant 0 : i32
    %lt3A_418 = arith.cmpi slt, %rem3A_414, %lt3A_417 : i32
    %lt3A_419 = arith.constant 0 : i32
    %lt3A_420 = arith.cmpi slt, %select_n3A_413, %lt3A_419 : i32
    %ne3A_421 = arith.xori %lt3A_418, %lt3A_420 : i1
    %and3A_422 = arith.andi %ne3A_421, %ne3A_416 : i1
    %add3A_423 = arith.addi %rem3A_414, %select_n3A_413 : i32
    %select_n3A_424 = arith.select %and3A_422, %add3A_423, %rem3A_414 : i32
    %add3A_425 = arith.constant 1 : i32
    %add3A_426 = arith.addi %select_n3A_424, %add3A_425 : i32
    %eq3A_427 = vector.broadcast %add3A_426 : i32 to vector<16xi32>
    %eq3A_428 = arith.cmpi eq, %iota3A, %eq3A_427 : vector<16xi32>
    %jit3A_429 = arith.constant 0.000000e+00 : f32
    %broadcast_in_dim3A_430 = vector.broadcast %jit3A_429 : f32 to vector<16xf32>
    %select_n3A_431 = arith.select %eq3A_428, %select_n3A_382, %broadcast_in_dim3A_430 : vector<16xi1>, vector<16xf32>
    %reduce_sum3A_432 = arith.constant true
    %reduce_sum3A_433 = vector.broadcast %reduce_sum3A_432 : i1 to vector<16xi1>
    %reduce_sum3A_434 = tpu.scan <sum>, %select_n3A_431 masked %reduce_sum3A_433 : vector<16xf32>, vector<16xi1> -> vector<16xf32>
    %reduce_sum3A_435 = vector.extract %reduce_sum3A_434[15] : f32 from vector<16xf32>
    %jit3A_436 = arith.constant 16 : i32
    %eq3A_437 = arith.constant 0 : i32
    %eq3A_438 = arith.cmpi eq, %jit3A_436, %eq3A_437 : i32
    %jit3A_439 = arith.constant 1 : i32
    %select_n3A_440 = arith.select %eq3A_438, %jit3A_439, %jit3A_436 : i32
    %rem3A_441 = arith.remsi %mul3A_356, %select_n3A_440 : i32
    %ne3A_442 = arith.constant 0 : i32
    %ne3A_443 = arith.cmpi ne, %rem3A_441, %ne3A_442 : i32
    %lt3A_444 = arith.constant 0 : i32
    %lt3A_445 = arith.cmpi slt, %rem3A_441, %lt3A_444 : i32
    %lt3A_446 = arith.constant 0 : i32
    %lt3A_447 = arith.cmpi slt, %select_n3A_440, %lt3A_446 : i32
    %ne3A_448 = arith.xori %lt3A_445, %lt3A_447 : i1
    %and3A_449 = arith.andi %ne3A_448, %ne3A_443 : i1
    %add3A_450 = arith.addi %rem3A_441, %select_n3A_440 : i32
    %select_n3A_451 = arith.select %and3A_449, %add3A_450, %rem3A_441 : i32
    %add3A_452 = arith.constant 2 : i32
    %add3A_453 = arith.addi %select_n3A_451, %add3A_452 : i32
    %eq3A_454 = vector.broadcast %add3A_453 : i32 to vector<16xi32>
    %eq3A_455 = arith.cmpi eq, %iota3A, %eq3A_454 : vector<16xi32>
    %jit3A_456 = arith.constant 0.000000e+00 : f32
    %broadcast_in_dim3A_457 = vector.broadcast %jit3A_456 : f32 to vector<16xf32>
    %select_n3A_458 = arith.select %eq3A_455, %select_n3A_382, %broadcast_in_dim3A_457 : vector<16xi1>, vector<16xf32>
    %reduce_sum3A_459 = arith.constant true
    %reduce_sum3A_460 = vector.broadcast %reduce_sum3A_459 : i1 to vector<16xi1>
    %reduce_sum3A_461 = tpu.scan <sum>, %select_n3A_458 masked %reduce_sum3A_460 : vector<16xf32>, vector<16xi1> -> vector<16xf32>
    %reduce_sum3A_462 = vector.extract %reduce_sum3A_461[15] : f32 from vector<16xf32>
    %jit3A_463 = arith.constant 16 : i32
    %eq3A_464 = arith.constant 0 : i32
    %eq3A_465 = arith.cmpi eq, %jit3A_463, %eq3A_464 : i32
    %jit3A_466 = arith.constant 1 : i32
    %select_n3A_467 = arith.select %eq3A_465, %jit3A_466, %jit3A_463 : i32
    %rem3A_468 = arith.remsi %mul3A_356, %select_n3A_467 : i32
    %ne3A_469 = arith.constant 0 : i32
    %ne3A_470 = arith.cmpi ne, %rem3A_468, %ne3A_469 : i32
    %lt3A_471 = arith.constant 0 : i32
    %lt3A_472 = arith.cmpi slt, %rem3A_468, %lt3A_471 : i32
    %lt3A_473 = arith.constant 0 : i32
    %lt3A_474 = arith.cmpi slt, %select_n3A_467, %lt3A_473 : i32
    %ne3A_475 = arith.xori %lt3A_472, %lt3A_474 : i1
    %and3A_476 = arith.andi %ne3A_475, %ne3A_470 : i1
    %add3A_477 = arith.addi %rem3A_468, %select_n3A_467 : i32
    %select_n3A_478 = arith.select %and3A_476, %add3A_477, %rem3A_468 : i32
    %add3A_479 = arith.constant 3 : i32
    %add3A_480 = arith.addi %select_n3A_478, %add3A_479 : i32
    %eq3A_481 = vector.broadcast %add3A_480 : i32 to vector<16xi32>
    %eq3A_482 = arith.cmpi eq, %iota3A, %eq3A_481 : vector<16xi32>
    %jit3A_483 = arith.constant 0.000000e+00 : f32
    %broadcast_in_dim3A_484 = vector.broadcast %jit3A_483 : f32 to vector<16xf32>
    %select_n3A_485 = arith.select %eq3A_482, %select_n3A_382, %broadcast_in_dim3A_484 : vector<16xi1>, vector<16xf32>
    %reduce_sum3A_486 = arith.constant true
    %reduce_sum3A_487 = vector.broadcast %reduce_sum3A_486 : i1 to vector<16xi1>
    %reduce_sum3A_488 = tpu.scan <sum>, %select_n3A_485 masked %reduce_sum3A_487 : vector<16xf32>, vector<16xi1> -> vector<16xf32>
    %reduce_sum3A_489 = vector.extract %reduce_sum3A_488[15] : f32 from vector<16xf32>
    %scan3A_490 = arith.constant 0 : i32
    %scan3A_491 = arith.constant 0 : i32
    %scan3A_492 = arith.constant 36 : i32
    %scan3A_493 = arith.addi %scan3A_491, %scan3A_492 : i32
    %scan3A_494 = arith.constant 1 : i32
    scf.for %scan3A_500 = %scan3A_491 to %scan3A_493 step %scan3A_494  : i32 {
      %mul3A_501 = arith.constant 16 : i32
      %mul3A_502 = arith.muli %scan3A_500, %mul3A_501 : i32
      %multiple_of3A_503 = tpu.assume_multiple %mul3A_502, 16 : i32
      %broadcast_in_dim3A_504 = arith.constant 0.000000e+00 : f32
      %broadcast_in_dim3A_505 = vector.broadcast %broadcast_in_dim3A_504 : f32 to vector<16xf32>
      %get3A = arith.constant 0 : i32
      %get3A_506 = arith.index_cast %get3A : i32 to index
      %get3A_507 = arith.index_cast %multiple_of3A_503 : i32 to index
      %get3A_508 = tpu.vector_load %arg9[%get3A_506, %get3A_507] {strides = array<i32>} : memref<4x576xf32, #tpu.memory_space<vmem>>, vector<16xf32>,
      %mul3A_509 = vector.broadcast %reduce_sum3A_408 : f32 to vector<16xf32>
      %mul3A_510 = arith.mulf %mul3A_509, %get3A_508 : vector<16xf32>
      %add3A_511 = arith.addf %broadcast_in_dim3A_505, %mul3A_510 : vector<16xf32>
      %get3A_512 = arith.constant 1 : i32
      %get3A_513 = arith.index_cast %get3A_512 : i32 to index
      %get3A_514 = arith.index_cast %multiple_of3A_503 : i32 to index
      %get3A_515 = tpu.vector_load %arg9[%get3A_513, %get3A_514] {strides = array<i32>} : memref<4x576xf32, #tpu.memory_space<vmem>>, vector<16xf32>,
      %mul3A_516 = vector.broadcast %reduce_sum3A_435 : f32 to vector<16xf32>
      %mul3A_517 = arith.mulf %mul3A_516, %get3A_515 : vector<16xf32>
      %add3A_518 = arith.addf %add3A_511, %mul3A_517 : vector<16xf32>
      %get3A_519 = arith.constant 2 : i32
      %get3A_520 = arith.index_cast %get3A_519 : i32 to index
      %get3A_521 = arith.index_cast %multiple_of3A_503 : i32 to index
      %get3A_522 = tpu.vector_load %arg9[%get3A_520, %get3A_521] {strides = array<i32>} : memref<4x576xf32, #tpu.memory_space<vmem>>, vector<16xf32>,
      %mul3A_523 = vector.broadcast %reduce_sum3A_462 : f32 to vector<16xf32>
      %mul3A_524 = arith.mulf %mul3A_523, %get3A_522 : vector<16xf32>
      %add3A_525 = arith.addf %add3A_518, %mul3A_524 : vector<16xf32>
      %get3A_526 = arith.constant 3 : i32
      %get3A_527 = arith.index_cast %get3A_526 : i32 to index
      %get3A_528 = arith.index_cast %multiple_of3A_503 : i32 to index
      %get3A_529 = tpu.vector_load %arg9[%get3A_527, %get3A_528] {strides = array<i32>} : memref<4x576xf32, #tpu.memory_space<vmem>>, vector<16xf32>,
      %mul3A_530 = vector.broadcast %reduce_sum3A_489 : f32 to vector<16xf32>
      %mul3A_531 = arith.mulf %mul3A_530, %get3A_529 : vector<16xf32>
      %add3A_532 = arith.addf %add3A_525, %mul3A_531 : vector<16xf32>
      %swap3A_533 = arith.index_cast %multiple_of3A_503 : i32 to index
      %swap3A_534 = tpu.vector_load %arg12[%swap3A_533] {strides = array<i32>} : memref<576xf32, #tpu.memory_space<vmem>>, vector<16xf32>,
      tpu.vector_store %arg12[%swap3A_533], %add3A_532 {strides = array<i32>} : memref<576xf32, #tpu.memory_space<vmem>>, vector<16xf32>,
    }
    %scan3A_495 = arith.constant 36 : i32
    "tpu.region"() ({
      %run_scoped3A = tpu.sem_alloc : memref<!tpu.dma_semaphore, #tpu.memory_space<semaphore_mem>>
      %dma_start3A_500 = arith.constant 0 : i32
      %dma_start3A_501 = tpu.memref_slice %arg16[%arg1, %dma_start3A_500] : memref<16x576xf32, #tpu.memory_space<vmem_shared>> -> memref<1x576xf32, #tpu.memory_space<vmem_shared>>
      %dma_start3A_502 = tpu.memref_squeeze %dma_start3A_501 : memref<1x576xf32, #tpu.memory_space<vmem_shared>> -> memref<576xf32, #tpu.memory_space<vmem_shared>>
      %dma_start3A_503 = arith.constant 0 : i32
      %dma_start3A_504 = tpu.memref_slice %arg16[%arg1, %dma_start3A_503] : memref<16x576xf32, #tpu.memory_space<vmem_shared>> -> memref<1x576xf32, #tpu.memory_space<vmem_shared>>
      %dma_start3A_505 = tpu.memref_squeeze %dma_start3A_504 : memref<1x576xf32, #tpu.memory_space<vmem_shared>> -> memref<576xf32, #tpu.memory_space<vmem_shared>>
      tpu.enqueue_dma source(%arg12 : memref<576xf32, #tpu.memory_space<vmem>>) target(%dma_start3A_505 : memref<576xf32, #tpu.memory_space<vmem_shared>>) target_semaphore(%run_scoped3A : memref<!tpu.dma_semaphore, #tpu.memory_space<semaphore_mem>>)
      %dma_wait3A_506 = arith.constant 0 : i32
      %dma_wait3A_507 = tpu.memref_slice %arg16[%arg1, %dma_wait3A_506] : memref<16x576xf32, #tpu.memory_space<vmem_shared>> -> memref<1x576xf32, #tpu.memory_space<vmem_shared>>
      %dma_wait3A_508 = tpu.memref_squeeze %dma_wait3A_507 : memref<1x576xf32, #tpu.memory_space<vmem_shared>> -> memref<576xf32, #tpu.memory_space<vmem_shared>>
      %dma_wait3A_509 = arith.constant 0 : i32
      %dma_wait3A_510 = tpu.memref_slice %arg16[%arg1, %dma_wait3A_509] : memref<16x576xf32, #tpu.memory_space<vmem_shared>> -> memref<1x576xf32, #tpu.memory_space<vmem_shared>>
      %dma_wait3A_511 = tpu.memref_squeeze %dma_wait3A_510 : memref<1x576xf32, #tpu.memory_space<vmem_shared>> -> memref<576xf32, #tpu.memory_space<vmem_shared>>
      tpu.wait_dma2 semaphore(%run_scoped3A : memref<!tpu.dma_semaphore, #tpu.memory_space<semaphore_mem>>) src(%arg12 : memref<576xf32, #tpu.memory_space<vmem>>) dst(%dma_wait3A_511 : memref<576xf32, #tpu.memory_space<vmem_shared>>)
      tpu.yield
    }) : () -> ()
    %barrier3A_496 = arith.constant 0 : index
    tpu.barrier barrier_id(%barrier3A_496)
    %eq3A_497 = arith.constant 0 : i32
    %eq3A_498 = arith.cmpi eq, %arg1, %eq3A_497 : i32
    %convert_element_type3A = arith.extui %eq3A_498 : i1 to i32
    %cond3A = arith.constant 0 : i32
    %cond3A_499 = arith.cmpi ne, %convert_element_type3A, %cond3A : i32
    scf.if %cond3A_499 {
      "tpu.region"() ({
        %run_scoped3A = tpu.sem_alloc : memref<!tpu.dma_semaphore, #tpu.memory_space<semaphore_mem>>
        tpu.enqueue_dma source(%arg16 : memref<16x576xf32, #tpu.memory_space<vmem_shared>>) target(%arg13 : memref<16x576xf32, #tpu.memory_space<vmem>>) target_semaphore(%run_scoped3A : memref<!tpu.dma_semaphore, #tpu.memory_space<semaphore_mem>>)
        tpu.wait_dma2 semaphore(%run_scoped3A : memref<!tpu.dma_semaphore, #tpu.memory_space<semaphore_mem>>) src(%arg16 : memref<16x576xf32, #tpu.memory_space<vmem_shared>>) dst(%arg13 : memref<16x576xf32, #tpu.memory_space<vmem>>)
        tpu.yield
      }) : () -> ()
      %broadcast_in_dim3A_500 = arith.constant 0.000000e+00 : f32
      %broadcast_in_dim3A_501 = vector.broadcast %broadcast_in_dim3A_500 : f32 to vector<16xf32>
      %scan3A_502 = arith.constant 0 : i32
      %scan3A_503 = arith.constant 36 : i32
      %scan3A_504 = arith.addi %scan3A_502, %scan3A_503 : i32
      %scan3A_505 = arith.constant 1 : i32
      %scan3A_506 = scf.for %scan3A_520 = %scan3A_502 to %scan3A_504 step %scan3A_505 iter_args(%scan3A_521 = %broadcast_in_dim3A_501) -> (vector<16xf32>)  : i32 {
        %mul3A_522 = arith.constant 16 : i32
        %mul3A_523 = arith.muli %scan3A_520, %mul3A_522 : i32
        %multiple_of3A_524 = tpu.assume_multiple %mul3A_523, 16 : i32
        %broadcast_in_dim3A_525 = arith.constant 0.000000e+00 : f32
        %broadcast_in_dim3A_526 = vector.broadcast %broadcast_in_dim3A_525 : f32 to vector<16xf32>
        %get3A = arith.constant 0 : i32
        %get3A_527 = arith.index_cast %get3A : i32 to index
        %get3A_528 = arith.index_cast %multiple_of3A_524 : i32 to index
        %get3A_529 = tpu.vector_load %arg13[%get3A_527, %get3A_528] {strides = array<i32>} : memref<16x576xf32, #tpu.memory_space<vmem>>, vector<16xf32>,
        %add3A_530 = arith.addf %broadcast_in_dim3A_526, %get3A_529 : vector<16xf32>
        %get3A_531 = arith.constant 1 : i32
        %get3A_532 = arith.index_cast %get3A_531 : i32 to index
        %get3A_533 = arith.index_cast %multiple_of3A_524 : i32 to index
        %get3A_534 = tpu.vector_load %arg13[%get3A_532, %get3A_533] {strides = array<i32>} : memref<16x576xf32, #tpu.memory_space<vmem>>, vector<16xf32>,
        %add3A_535 = arith.addf %add3A_530, %get3A_534 : vector<16xf32>
        %get3A_536 = arith.constant 2 : i32
        %get3A_537 = arith.index_cast %get3A_536 : i32 to index
        %get3A_538 = arith.index_cast %multiple_of3A_524 : i32 to index
        %get3A_539 = tpu.vector_load %arg13[%get3A_537, %get3A_538] {strides = array<i32>} : memref<16x576xf32, #tpu.memory_space<vmem>>, vector<16xf32>,
        %add3A_540 = arith.addf %add3A_535, %get3A_539 : vector<16xf32>
        %get3A_541 = arith.constant 3 : i32
        %get3A_542 = arith.index_cast %get3A_541 : i32 to index
        %get3A_543 = arith.index_cast %multiple_of3A_524 : i32 to index
        %get3A_544 = tpu.vector_load %arg13[%get3A_542, %get3A_543] {strides = array<i32>} : memref<16x576xf32, #tpu.memory_space<vmem>>, vector<16xf32>,
        %add3A_545 = arith.addf %add3A_540, %get3A_544 : vector<16xf32>
        %get3A_546 = arith.constant 4 : i32
        %get3A_547 = arith.index_cast %get3A_546 : i32 to index
        %get3A_548 = arith.index_cast %multiple_of3A_524 : i32 to index
        %get3A_549 = tpu.vector_load %arg13[%get3A_547, %get3A_548] {strides = array<i32>} : memref<16x576xf32, #tpu.memory_space<vmem>>, vector<16xf32>,
        %add3A_550 = arith.addf %add3A_545, %get3A_549 : vector<16xf32>
        %get3A_551 = arith.constant 5 : i32
        %get3A_552 = arith.index_cast %get3A_551 : i32 to index
        %get3A_553 = arith.index_cast %multiple_of3A_524 : i32 to index
        %get3A_554 = tpu.vector_load %arg13[%get3A_552, %get3A_553] {strides = array<i32>} : memref<16x576xf32, #tpu.memory_space<vmem>>, vector<16xf32>,
        %add3A_555 = arith.addf %add3A_550, %get3A_554 : vector<16xf32>
        %get3A_556 = arith.constant 6 : i32
        %get3A_557 = arith.index_cast %get3A_556 : i32 to index
        %get3A_558 = arith.index_cast %multiple_of3A_524 : i32 to index
        %get3A_559 = tpu.vector_load %arg13[%get3A_557, %get3A_558] {strides = array<i32>} : memref<16x576xf32, #tpu.memory_space<vmem>>, vector<16xf32>,
        %add3A_560 = arith.addf %add3A_555, %get3A_559 : vector<16xf32>
        %get3A_561 = arith.constant 7 : i32
        %get3A_562 = arith.index_cast %get3A_561 : i32 to index
        %get3A_563 = arith.index_cast %multiple_of3A_524 : i32 to index
        %get3A_564 = tpu.vector_load %arg13[%get3A_562, %get3A_563] {strides = array<i32>} : memref<16x576xf32, #tpu.memory_space<vmem>>, vector<16xf32>,
        %add3A_565 = arith.addf %add3A_560, %get3A_564 : vector<16xf32>
        %get3A_566 = arith.constant 8 : i32
        %get3A_567 = arith.index_cast %get3A_566 : i32 to index
        %get3A_568 = arith.index_cast %multiple_of3A_524 : i32 to index
        %get3A_569 = tpu.vector_load %arg13[%get3A_567, %get3A_568] {strides = array<i32>} : memref<16x576xf32, #tpu.memory_space<vmem>>, vector<16xf32>,
        %add3A_570 = arith.addf %add3A_565, %get3A_569 : vector<16xf32>
        %get3A_571 = arith.constant 9 : i32
        %get3A_572 = arith.index_cast %get3A_571 : i32 to index
        %get3A_573 = arith.index_cast %multiple_of3A_524 : i32 to index
        %get3A_574 = tpu.vector_load %arg13[%get3A_572, %get3A_573] {strides = array<i32>} : memref<16x576xf32, #tpu.memory_space<vmem>>, vector<16xf32>,
        %add3A_575 = arith.addf %add3A_570, %get3A_574 : vector<16xf32>
        %get3A_576 = arith.constant 10 : i32
        %get3A_577 = arith.index_cast %get3A_576 : i32 to index
        %get3A_578 = arith.index_cast %multiple_of3A_524 : i32 to index
        %get3A_579 = tpu.vector_load %arg13[%get3A_577, %get3A_578] {strides = array<i32>} : memref<16x576xf32, #tpu.memory_space<vmem>>, vector<16xf32>,
        %add3A_580 = arith.addf %add3A_575, %get3A_579 : vector<16xf32>
        %get3A_581 = arith.constant 11 : i32
        %get3A_582 = arith.index_cast %get3A_581 : i32 to index
        %get3A_583 = arith.index_cast %multiple_of3A_524 : i32 to index
        %get3A_584 = tpu.vector_load %arg13[%get3A_582, %get3A_583] {strides = array<i32>} : memref<16x576xf32, #tpu.memory_space<vmem>>, vector<16xf32>,
        %add3A_585 = arith.addf %add3A_580, %get3A_584 : vector<16xf32>
        %get3A_586 = arith.constant 12 : i32
        %get3A_587 = arith.index_cast %get3A_586 : i32 to index
        %get3A_588 = arith.index_cast %multiple_of3A_524 : i32 to index
        %get3A_589 = tpu.vector_load %arg13[%get3A_587, %get3A_588] {strides = array<i32>} : memref<16x576xf32, #tpu.memory_space<vmem>>, vector<16xf32>,
        %add3A_590 = arith.addf %add3A_585, %get3A_589 : vector<16xf32>
        %get3A_591 = arith.constant 13 : i32
        %get3A_592 = arith.index_cast %get3A_591 : i32 to index
        %get3A_593 = arith.index_cast %multiple_of3A_524 : i32 to index
        %get3A_594 = tpu.vector_load %arg13[%get3A_592, %get3A_593] {strides = array<i32>} : memref<16x576xf32, #tpu.memory_space<vmem>>, vector<16xf32>,
        %add3A_595 = arith.addf %add3A_590, %get3A_594 : vector<16xf32>
        %get3A_596 = arith.constant 14 : i32
        %get3A_597 = arith.index_cast %get3A_596 : i32 to index
        %get3A_598 = arith.index_cast %multiple_of3A_524 : i32 to index
        %get3A_599 = tpu.vector_load %arg13[%get3A_597, %get3A_598] {strides = array<i32>} : memref<16x576xf32, #tpu.memory_space<vmem>>, vector<16xf32>,
        %add3A_600 = arith.addf %add3A_595, %get3A_599 : vector<16xf32>
        %get3A_601 = arith.constant 15 : i32
        %get3A_602 = arith.index_cast %get3A_601 : i32 to index
        %get3A_603 = arith.index_cast %multiple_of3A_524 : i32 to index
        %get3A_604 = tpu.vector_load %arg13[%get3A_602, %get3A_603] {strides = array<i32>} : memref<16x576xf32, #tpu.memory_space<vmem>>, vector<16xf32>,
        %add3A_605 = arith.addf %add3A_600, %get3A_604 : vector<16xf32>
        %swap3A_606 = arith.index_cast %multiple_of3A_524 : i32 to index
        %swap3A_607 = tpu.vector_load %arg14[%swap3A_606] {strides = array<i32>} : memref<576xf32, #tpu.memory_space<vmem>>, vector<16xf32>,
        tpu.vector_store %arg14[%swap3A_606], %add3A_605 {strides = array<i32>} : memref<576xf32, #tpu.memory_space<vmem>>, vector<16xf32>,
        %add3A_608 = arith.addf %scan3A_521, %add3A_605 : vector<16xf32>
        scf.yield %add3A_608 : vector<16xf32>
      }
      %scan3A_507 = arith.constant 36 : i32
      %reduce_sum3A_508 = arith.constant true
      %reduce_sum3A_509 = vector.broadcast %reduce_sum3A_508 : i1 to vector<16xi1>
      %reduce_sum3A_510 = tpu.scan <sum>, %scan3A_506 masked %reduce_sum3A_509 : vector<16xf32>, vector<16xi1> -> vector<16xf32>
      %reduce_sum3A_511 = vector.extract %reduce_sum3A_510[15] : f32 from vector<16xf32>
      %add3A_512 = arith.constant 9.99999993E-9 : f32
      %add3A_513 = arith.addf %reduce_sum3A_511, %add3A_512 : f32
      %scan3A_514 = arith.constant 0 : i32
      %scan3A_515 = arith.constant 0 : i32
      %scan3A_516 = arith.constant 36 : i32
      %scan3A_517 = arith.addi %scan3A_515, %scan3A_516 : i32
      %scan3A_518 = arith.constant 1 : i32
      scf.for %scan3A_520 = %scan3A_515 to %scan3A_517 step %scan3A_518  : i32 {
        %mul3A_521 = arith.constant 16 : i32
        %mul3A_522 = arith.muli %scan3A_520, %mul3A_521 : i32
        %multiple_of3A_523 = tpu.assume_multiple %mul3A_522, 16 : i32
        %get3A = arith.index_cast %multiple_of3A_523 : i32 to index
        %get3A_524 = tpu.vector_load %arg14[%get3A] {strides = array<i32>} : memref<576xf32, #tpu.memory_space<vmem>>, vector<16xf32>,
        %div3A_525 = vector.broadcast %add3A_513 : f32 to vector<16xf32>
        %div3A_526 = arith.divf %get3A_524, %div3A_525 : vector<16xf32>
        %swap3A_527 = arith.index_cast %multiple_of3A_523 : i32 to index
        %swap3A_528 = tpu.vector_load %arg14[%swap3A_527] {strides = array<i32>} : memref<576xf32, #tpu.memory_space<vmem>>, vector<16xf32>,
        tpu.vector_store %arg14[%swap3A_527], %div3A_526 {strides = array<i32>} : memref<576xf32, #tpu.memory_space<vmem>>, vector<16xf32>,
      }
      %scan3A_519 = arith.constant 36 : i32
      "tpu.region"() ({
        %run_scoped3A = tpu.sem_alloc : memref<!tpu.dma_semaphore, #tpu.memory_space<semaphore_mem>>
        tpu.enqueue_dma source(%arg14 : memref<576xf32, #tpu.memory_space<vmem>>) target(%arg5 : memref<576xf32, #tpu.memory_space<hbm>>) target_semaphore(%run_scoped3A : memref<!tpu.dma_semaphore, #tpu.memory_space<semaphore_mem>>)
        tpu.wait_dma2 semaphore(%run_scoped3A : memref<!tpu.dma_semaphore, #tpu.memory_space<semaphore_mem>>) src(%arg14 : memref<576xf32, #tpu.memory_space<vmem>>) dst(%arg5 : memref<576xf32, #tpu.memory_space<hbm>>)
        tpu.yield
      }) : () -> ()
    } else {
    }
    return
  }
}

</mosaic_0001>

<sc_bundles>
// kernel: kernel.3.cloned.1.call-start
scs
__scs_entry_jumppad:
0x0: {  	(pc) =	sbr.rel $0x88, $3  }
0x1: {  	(tag) =	ssettag $0x0;
	lr =	simm.s32 $0x1  }
0x2: {  	[smem:$0x3F9E] =	sst lr;
	_ =	strace $0xD0000000  }
0x3: {  	_ = 	snop  }
0x4: {  	_ = 	snop  }
0x5: {  	_ = 	snop  }
0x6: {  	_ = 	snop  }
0x7: {  	_ = 	snop  }
__scs_overlays_trampoline_lowered:
0x8: {  	[smem:$0x3FAD] =	sst s0  }
0x9: {  	[smem:$0x3FAE] =	sst s1  }
0xa: {  	[smem:$0x3FAF] =	sst s2  }
0xb: {  	[smem:$0x3FB0] =	sst s3  }
0xc: {  	[smem:$0x3FB1] =	sst s4  }
0xd: {  	[smem:$0x3FB2] =	sst s5  }
0xe: {  	[smem:$0x3FB3] =	sst s6  }
0xf: {  	[smem:$0x3FB4] =	sst s7  }
0x10: {  	[smem:$0x3FB5] =	sst s8  }
0x11: {  	[smem:$0x3FB6] =	sst s9;
	s0 =	simm.s32 @!p0 $0x0  }
0x12: {  	s1 =	sld [smem:$0x3F9C];
	s0 =	simm.s32 @p0 $0x1  }
0x13: {  	[smem:$0x3FB7] =	sst s0;
	s0 =	simm.s32 @!p1 $0x0  }
0x14: {  	s2 =	sld [smem:$0x3F9B];
	s0 =	simm.s32 @p1 $0x1  }
0x15: {  	[smem:$0x3FB8] =	sst s0;
	s0 =	simm.s32 @!p2 $0x0  }
0x16: {  	s3 =	sld [smem:$0x3FDB];
	s0 =	simm.s32 @p2 $0x1  }
0x17: {  	s4 =	simm.s32 $0x1BF5;
	[smem:$0x3FBA] =	sst s0  }
0x18: {  	s0 =	sld [smem:$0x3F9D];
	_ =	swait.ge [sflag:s4], $0x0  }
0x19: {  	s7 =	sld [smem:$0x3F9E]  }
0x1a: {  	s8 =	sadd.s32 $0xFFFFE003, lr  }
0x1b: {  	s9 =	sadd.s32 $0xFFFFFEF7, lr;
	s5 =	simm.s32 $0xFFFFFFFF;
	p2 =	slt.u32 s8, $0xFFFFF086  }
0x1c: {  	p1 =	slt.u32 s9, $0xF7A;
	s5 =	simm.s32 @!p2 $0x0  }
0x1d: {  	s5 =	simm.s32 @p1 $0x1;
	p0 =	seq.s32 s7, s2  }
0x1e: {  	s7 =	smul.u32 @!p0 $0xF7A, s2;
	p2 =	seq.s32 @!p0 s5, $0x0  }
0x1f: {  	s9 =	smul.u32 $0xF7A, s1;
	s8 =	simm.s32 @!p0 $0x1BF5;
	p2 =	por !p2, p0  }
0x20: {  	[sflag:s8] =	ssyncset.s32 @!p0 $0xFFFFF086;
	s6 =	sadd.s32 @!p0 s3, s7;
	s7 =	simm.s32 @!p0 $0x108  }
0x21: {  	s3 =	sadd.s32 s3, s9;
	s6 =	sadd.s32 @!p0 $0x88, s6;
	s7 =	simm.s32 @p2 $0x1082  }
0x22: {  	[simem:s7], [sflag:s8] =	dma.local @!p0 [hbm:s6], $0xF7A  }
0x23: {  	s9 =	sor.u32 $0xD0000000, s2;
	s6 =	simm.s32 $0x108;
	_ =	swait.ge @!p0 [sflag:s8], $0x0  }
0x24: {  	s3 =	sadd.s32 $0x88, s3;
	s6 =	simm.s32 @!p1 $0x1082;
	[sflag:s4] =	ssyncset.s32 $0xFFFFF086  }
0x25: {  	[simem:s6], [sflag:s4] =	dma.local [hbm:s3], $0xF7A  }
0x26: {  	[smem:$0x3F9E] =	sst s1;
	(tag) =	ssettag s2;
	_ =	strace s9  }
0x27: {  	s1 =	sld [smem:$0x3FAE]  }
0x28: {  	s2 =	sld [smem:$0x3FAF]  }
0x29: {  	s4 =	sld [smem:$0x3FB1]  }
0x2a: {  	p0 =	seq.s32 s5, $0x0;
	s5 =	sld [smem:$0x3FB2]  }
0x2b: {  	s6 =	sld [smem:$0x3FB3]  }
0x2c: {  	s7 =	sld [smem:$0x3FB4]  }
0x2d: {  	s3 =	simm.s32 $0x108;
	s8 =	sld [smem:$0x3FB5]  }
0x2e: {  	s3 =	simm.s32 @!p0 $0x1082;
	s9 =	sld [smem:$0x3FB6]  }
0x2f: {  	lr =	sadd.s32 s0, s3;
	s0 =	sld [smem:$0x3FAD]  }
0x30: {  	s3 =	sld [smem:$0x3FB0]  }
0x31: {  	[smem:$0x3FB9] =	sst s10  }
0x32: {  	s10 =	sld [smem:$0x3FB7];
	_ =	sdelay $0x3  }
0x33: {  	p0 =	seq.s32 s10, $0x1;
	s10 =	sld [smem:$0x3FB9];
	_ =	sdelay $0x3  }
0x34: {  	[smem:$0x3FB9] =	sst s10  }
0x35: {  	s10 =	sld [smem:$0x3FB8];
	_ =	sdelay $0x3  }
0x36: {  	p1 =	seq.s32 s10, $0x1;
	s10 =	sld [smem:$0x3FB9];
	_ =	sdelay $0x3  }
0x37: {  	[smem:$0x3FB9] =	sst s10  }
0x38: {  	s10 =	sld [smem:$0x3FBA]  }
0x39: {  	_ = 	snop;
	(pc) =	sbr.ind lr, $3  }
0x3a: {  	_ = 	snop  }
0x3b: {  	_ = 	snop  }
0x3c: {  	p2 =	seq.s32 s10, $0x1;
	s10 =	sld [smem:$0x3FB9]  }
0x3d: {  	_ =	shalt  }
0x3e: {  	_ =	shalt  }
0x3f: {  	_ =	shalt  }
0x40: {  	_ =	shalt  }
0x41: {  	_ =	shalt  }
0x42: {  	_ =	shalt  }
0x43: {  	_ =	shalt  }
0x44: {  	_ =	shalt  }
0x45: {  	_ =	shalt  }
0x46: {  	_ =	shalt  }
0x47: {  	_ =	shalt  }
0x48: {  	_ =	shalt  }
0x49: {  	_ =	shalt  }
0x4a: {  	_ =	shalt  }
0x4b: {  	_ =	shalt  }
0x4c: {  	_ =	shalt  }
0x4d: {  	_ =	shalt  }
0x4e: {  	_ =	shalt  }
0x4f: {  	_ =	shalt  }
0x50: {  	_ =	shalt  }
0x51: {  	_ =	shalt  }
0x52: {  	_ =	shalt  }
0x53: {  	_ =	shalt  }
0x54: {  	_ =	shalt  }
0x55: {  	_ =	shalt  }
0x56: {  	_ =	shalt  }
0x57: {  	_ =	shalt  }
0x58: {  	_ =	shalt  }
0x59: {  	_ =	shalt  }
0x5a: {  	_ =	shalt  }
0x5b: {  	_ =	shalt  }
0x5c: {  	_ =	shalt  }
0x5d: {  	_ =	shalt  }
0x5e: {  	_ =	shalt  }
0x5f: {  	_ =	shalt  }
0x60: {  	_ =	shalt  }
0x61: {  	_ =	shalt  }
0x62: {  	_ =	shalt  }
0x63: {  	_ =	shalt  }
0x64: {  	_ =	shalt  }
0x65: {  	_ =	shalt  }
0x66: {  	_ =	shalt  }
0x67: {  	_ =	shalt  }
0x68: {  	_ =	shalt  }
0x69: {  	_ =	shalt  }
0x6a: {  	_ =	shalt  }
0x6b: {  	_ =	shalt  }
0x6c: {  	_ =	shalt  }
0x6d: {  	_ =	shalt  }
0x6e: {  	_ =	shalt  }
0x6f: {  	_ =	shalt  }
0x70: {  	_ =	shalt  }
0x71: {  	_ =	shalt  }
0x72: {  	_ =	shalt  }
0x73: {  	_ =	shalt  }
0x74: {  	_ =	shalt  }
0x75: {  	_ =	shalt  }
0x76: {  	_ =	shalt  }
0x77: {  	_ =	shalt  }
0x78: {  	_ =	shalt  }
0x79: {  	_ =	shalt  }
0x7a: {  	_ =	shalt  }
0x7b: {  	_ =	shalt  }
0x7c: {  	_ =	shalt  }
0x7d: {  	_ =	shalt  }
0x7e: {  	_ =	shalt  }
0x7f: {  	_ =	shalt  }
0x80: {  	_ =	shalt  }
0x81: {  	_ =	shalt  }
0x82: {  	_ =	shalt  }
0x83: {  	_ =	shalt  }
0x84: {  	_ =	shalt  }
0x85: {  	_ =	shalt  }
0x86: {  	_ =	shalt  }
0x87: {  	_ =	shalt  }
.Lfunc_end0:
.L_simem_size_0:
called_computation_lowered:
.L_overlay_start_0:
0x88: {  	s0 =	sld [smem:$0x3FD9]  }
0x89: {  	s1 =	sld [smem:$0x3FFE];
	_ =	sdelay $0x3  }
0x8a: {  	s0 =	sadd.s32 s1, s0  }
0x8b: {  	[smem:$0x3FC5] =	sst s0  }
0x8c: {  	_ = 	snop  }
0x8d: {  	s0 =	sld [smem:$0x3FC9]  }
0x8e: {  	s16 =	sld [smem:$0x3FC8]  }
0x8f: {  	s2 =	sld [smem:$0x3FD0];
	(tm) =	ssettm $0x1  }
0x90: {  	s3 =	sld [smem:$0x3FFB];
	_ =	sdelay $0x3  }
0x91: {  	_ =	strace s3  }
0x92: {  	s3 =	sld [smem:$0x3FFC];
	_ =	sdelay $0x3  }
0x93: {  	_ =	strace s3  }
0x94: {  	s3 =	sld [smem:$0x3FFD];
	_ =	sdelay $0x3  }
0x95: {  	_ =	strace s3  }
0x96: {  	_ =	strace $0x8FFFFFFF  }
0x97: {  	s17 =	sld [smem:$0x3FDB];
	_ =	sdelay $0x1  }
0x98: {  	s4 =	simm.s32 $_scs_section_size  }
0x99: {  	s5 =	simm.s32 $_size__tile_overlayer_lowered;
	s6 =	simm.s32 $_tile_overlayer_lowered  }
0x9a: {  	s20 =	simm.s32 $0x1BFF;
	s19 =	sshll.u32 s6, $0x1;
	s3 =	sadd.s32 s4, s17  }
0x9b: {  	s7 =	simm.s32 $0x0;
	s18 =	sshll.u32 s5, $0x1;
	s5 =	sadd.s32 s19, s3  }
0x9c: {  	[timem:s7], [sflag:s20] =	dma.local [hbm:s5], s18  }
0x9d: {  	_ =	swait.ge [sflag:s20], s18  }
0x9e: {  	s4 =	ssub.s32 $0x0, s18;
	[sflag:s20] =	ssyncset.done $0x0  }
0x9f: {  	[sflag:s20] =	ssyncadd.s32 s4;
	_ =	sdelay $0x1  }
0xa0: {  	s21 =	simm.s32 $0x1B8B  }
0xa1: {  	_ =	swait.ge [sflag:s21], $0x1  }
0xa2: {  	[sflag:s21] =	ssyncset.done $0x0  }
0xa3: {  	s23 =	simm.s32 $0x1B8E;
	s22 =	sld [smem:$0x3FFE];
	[sflag:s21] =	ssyncadd.s32 $0xFFFFFFFF  }
0xa4: {  	s24 =	simm.s32 $execute0_lowered;
	[smem:$0x3FD2] =	sst s23  }
0xa5: {  	s5 =	sshll.u32 s24, $0x1;
	_ =	strace $0x80000046;
	[dreg:$0x1] =	wrdreg $0xFFFFFFFF  }
0xa6: {  	s25 =	simm.s32 $_size_execute0_lowered;
	s3 =	sadd.s32 s3, s5;
	[dreg:$0x0] =	wrdreg $0x0  }
0xa7: {  	s5 =	sshll.u32 s25, $0x1;
	[dreg:$0x2] =	wrdreg s3  }
0xa8: {  	[dreg:$0x3] =	wrdreg s5  }
0xa9: {  	[dreg:$0x4] =	wrdreg $0xC0  }
0xaa: {  	_ =	task [dreg:s7], $0x5FFFF  }
0xab: {  	[dreg:$0x1] =	wrdreg $0xFFFFFFFF  }
0xac: {  	[dreg:$0x0] =	wrdreg $0x60  }
0xad: {  	[dreg:$0x2] =	wrdreg s16  }
0xae: {  	[dreg:$0x3] =	wrdreg s2  }
0xaf: {  	[dreg:$0x4] =	wrdreg s0  }
0xb0: {  	[dreg:$0x5] =	wrdreg s22  }
0xb1: {  	[dreg:$0x6] =	wrdreg $0x15C000  }
0xb2: {  	[dreg:$0x7] =	wrdreg $0x15C400  }
0xb3: {  	[dreg:$0x8] =	wrdreg $0x9  }
0xb4: {  	_ =	task.clear_ibuf [dreg:s7], $0x9FFFF;
	_ =	strace $0x90000046  }
0xb5: {  	s26 =	simm.s32 $0x9;
	_ =	strace $0x80000048  }
0xb6: {  	_ =	swait.ge [sflag:s26], $0x1  }
0xb7: {  	[sflag:s26] =	ssyncadd.s32 $0xFFFFFFFF  }
0xb8: {  	_ =	strace $0x90000048  }
0xb9: {  	_ =	sfence  }
0xba: {  	s28 =	sld [smem:$0x0];
	_ =	sdelay $0x1  }
0xbb: {  	s29 =	srdreg.scid  }
0xbc: {  	s30 =	sshll.u32 s29, $0xD;
	s31 =	sshrl.u32 s29, $0x2  }
0xbd: {  	s1 =	sand.u32 $0x1, s29;
	s2 =	sand.u32 $0x4000, s30;
	s0 =	sadd.s32 s31, s28  }
0xbe: {  	s1 =	sor.u32 s2, s1;
	s0 =	sshll.u32 s0, $0x11  }
0xbf: {  	s0 =	sor.u32 s0, s1  }
0xc0: {  	s0 =	sadd.s32 $0x8F2B, s0  }
0xc1: {  	[sflag:s0] =	ssyncadd.remote.s32 $0x1  }
0xc2: {  	_ =	sfence.sel $0xFFFF  }
0xc3: {  	[dreg:$0x0] =	wrdreg $0xFFFFFFFF;
	(pc) =	sbr.abs _section_cstart, $3  }
0xc4: {  	[dreg:$0x1] =	wrdreg $0xFFFFFFFF  }
0xc5: {  	_ =	task.clear_ibuf [dreg:s7], $0x2FFFF;
	_ =	strace $0x9FFFFFFF  }
0xc6: {  	(tm) =	ssettm $0x7FFFFFFF  }
0xc7: {  	_ =	shalt  }
tec
execute0_lowered:
.L_overlay_start_1:
0x0: {  	(tag) =	ssettag $0x1  }
0x1: {  	s8 =	rddreg [dreg:$0x0]  }
0x2: {  	s6 =	rddreg [dreg:$0x1]  }
0x3: {  	s9 =	rddreg [dreg:$0x2]  }
0x4: {  	s1 =	rddreg [dreg:$0x3]  }
0x5: {  	s5 =	rddreg [dreg:$0x4]  }
0x6: {  	s2 =	rddreg [dreg:$0x5]  }
0x7: {  	s0 =	rddreg [dreg:$0x6];
	s7 =	simm.s32 $0x0;
	s3 =	stileid.u32  }
0x8: {  	[smem:$0x7FF] =	sst s7;
	s4 =	sshll.u32 s3, $0x2  }
0x9: {  	s15 =	simm.s32 $0x2;
	_ =	strace $0x80000047;
	s6 =	sadd.s32 s6, s4  }
0xa: {  	[tilespmem:s7], [sflag:$0x2] =	stream.linear.gather [hbm4b:s6+s7], $0x20, $0x38;
	[tilespmem:$0x15E80] =	vst v63  }
0xb: {  	_ =	swait.ge [sflag:s15], $0x20  }
0xc: {  	[sflag:s15] =	ssyncset.done $0x0  }
0xd: {  	s10 =	simm.s32 $0x80;
	[sflag:s15] =	ssyncadd.s32 $0xFFFFFFE0  }
0xe: {  	[tilespmem:s10], [sflag:$0x2] =	stream.linear.gather [hbm4b:s9+s7], $0x280, $0x38;
	[tilespmem:$0x15E80] =	vst v63  }
0xf: {  	_ =	swait.ge [sflag:s15], $0x280  }
0x10: {  	[sflag:s15] =	ssyncset.done $0x0  }
0x11: {  	[sflag:s15] =	ssyncadd.s32 $0xFFFFFD80  }
0x12: {  	v0 =	vld [tilespmem:$0x0];
	_ =	sdelay $0x4  }
0x13: {  	v1 =	vshll.u32 v0, $0x4  }
0x14: {  	v2 =	vlaneseq.u32;
	v0 =	vand.u32 $0x7, v0;
	v1 =	vand.u32 $0xFFFFFF80, v1  }
0x15: {  	v3 =	vshrl.u32 v2, $0x3;
	v0 =	vor.u32 v0, v1;
	v1 =	vand.u32 $0x7, v2  }
0x16: {  	v3 =	vmul.u32 $0x8, v3;
	v4 =	vperm.xlane v0, v1;
	_ =	sdelay $0x1  }
0x17: {  	v4 =	vadd.s32 v3, v4;
	_ =	sdelay $0x3  }
0x18: {  	vm0 =	vmmov $0xffff;
	s6 =	simm.s32 $0x300  }
0x19: {  	[tilespmem:s6], [sflag:$0x1] =	stream.indirect_vreg.gather [hbm4b:s8+s7], $0x80, v4, vm0, $0xb8;
	[tilespmem:$0x15E80] =	vst v63  }
0x1a: {  	s16 =	simm.s32 $0xB00;
	s9 =	sadd.s32 $0x100, s8  }
0x1b: {  	[tilespmem:s16], [sflag:$0x1] =	stream.indirect_vreg.gather [hbm4b:s9+s7], $0x80, v4, vm0, $0xb8;
	[tilespmem:$0x15E80] =	vst v63  }
0x1c: {  	s11 =	simm.s32 $0x1300;
	s10 =	sadd.s32 $0x200, s8  }
0x1d: {  	[tilespmem:s11], [sflag:$0x1] =	stream.indirect_vreg.gather [hbm4b:s10+s7], $0x80, v4, vm0, $0xb8;
	[tilespmem:$0x15E80] =	vst v63  }
0x1e: {  	s12 =	simm.s32 $0x1B00;
	s11 =	sadd.s32 $0x300, s8  }
0x1f: {  	[tilespmem:s12], [sflag:$0x1] =	stream.indirect_vreg.gather [hbm4b:s11+s7], $0x80, v4, vm0, $0xb8;
	[tilespmem:$0x15E80] =	vst v63  }
0x20: {  	s13 =	simm.s32 $0x2300;
	s12 =	sadd.s32 $0x400, s8  }
0x21: {  	v2 =	vor.u32 $0x8, v2;
	[tilespmem:s13], [sflag:$0x1] =	stream.indirect_vreg.gather [hbm4b:s12+s7], $0x80, v4, vm0, $0xb8;
	[tilespmem:$0x15E80] =	vst v63  }
0x22: {  	s14 =	simm.s32 $0x2B00;
	v0 =	vperm.xlane v0, v2;
	s13 =	sadd.s32 $0x500, s8  }
0x23: {  	[tilespmem:s14], [sflag:$0x1] =	stream.indirect_vreg.gather [hbm4b:s13+s7], $0x80, v4, vm0, $0xb8;
	[tilespmem:$0x15E80] =	vst v63  }
0x24: {  	s15 =	simm.s32 $0x3300;
	v0 =	vadd.s32 v3, v0;
	s14 =	sadd.s32 $0x600, s8  }
0x25: {  	[tilespmem:s15], [sflag:$0x1] =	stream.indirect_vreg.gather [hbm4b:s14+s7], $0x80, v4, vm0, $0xb8;
	[tilespmem:$0x15E80] =	vst v63  }
0x26: {  	s16 =	simm.s32 $0x3B00;
	s15 =	sadd.s32 $0x700, s8  }
0x27: {  	[tilespmem:s16], [sflag:$0x1] =	stream.indirect_vreg.gather [hbm4b:s15+s7], $0x80, v4, vm0, $0xb8;
	[tilespmem:$0x15E80] =	vst v63  }
0x28: {  	s17 =	simm.s32 $0x4300  }
0x29: {  	[tilespmem:s17], [sflag:$0x1] =	stream.indirect_vreg.gather [hbm4b:s8+s7], $0x80, v0, vm0, $0xb8;
	[tilespmem:$0x15E80] =	vst v63  }
0x2a: {  	s18 =	simm.s32 $0x4B00  }
0x2b: {  	[tilespmem:s18], [sflag:$0x1] =	stream.indirect_vreg.gather [hbm4b:s9+s7], $0x80, v0, vm0, $0xb8;
	[tilespmem:$0x15E80] =	vst v63  }
0x2c: {  	s19 =	simm.s32 $0x5300  }
0x2d: {  	[tilespmem:s19], [sflag:$0x1] =	stream.indirect_vreg.gather [hbm4b:s10+s7], $0x80, v0, vm0, $0xb8;
	[tilespmem:$0x15E80] =	vst v63  }
0x2e: {  	s20 =	simm.s32 $0x5B00  }
0x2f: {  	[tilespmem:s20], [sflag:$0x1] =	stream.indirect_vreg.gather [hbm4b:s11+s7], $0x80, v0, vm0, $0xb8;
	[tilespmem:$0x15E80] =	vst v63  }
0x30: {  	s21 =	simm.s32 $0x6300  }
0x31: {  	[tilespmem:s21], [sflag:$0x1] =	stream.indirect_vreg.gather [hbm4b:s12+s7], $0x80, v0, vm0, $0xb8;
	[tilespmem:$0x15E80] =	vst v63  }
0x32: {  	s22 =	simm.s32 $0x6B00  }
0x33: {  	[tilespmem:s22], [sflag:$0x1] =	stream.indirect_vreg.gather [hbm4b:s13+s7], $0x80, v0, vm0, $0xb8;
	[tilespmem:$0x15E80] =	vst v63  }
0x34: {  	s23 =	simm.s32 $0x7300  }
0x35: {  	[tilespmem:s23], [sflag:$0x1] =	stream.indirect_vreg.gather [hbm4b:s14+s7], $0x80, v0, vm0, $0xb8;
	[tilespmem:$0x15E80] =	vst v63  }
0x36: {  	s24 =	simm.s32 $0x7B00  }
0x37: {  	[tilespmem:s24], [sflag:$0x1] =	stream.indirect_vreg.gather [hbm4b:s15+s7], $0x80, v0, vm0, $0xb8;
	[tilespmem:$0x15E80] =	vst v63  }
0x38: {  	v0 =	vld [tilespmem:$0x10];
	_ =	sdelay $0x4  }
0x39: {  	v4 =	vshll.u32 v0, $0x4  }
0x3a: {  	v0 =	vand.u32 $0x7, v0;
	v4 =	vand.u32 $0xFFFFFF80, v4  }
0x3b: {  	v0 =	vor.u32 v0, v4  }
0x3c: {  	v1 =	vperm.xlane v0, v1;
	_ =	sdelay $0x1  }
0x3d: {  	v1 =	vadd.s32 v3, v1;
	_ =	sdelay $0x3  }
0x3e: {  	s25 =	simm.s32 $0x8300  }
0x3f: {  	[tilespmem:s25], [sflag:$0x1] =	stream.indirect_vreg.gather [hbm4b:s8+s7], $0x80, v1, vm0, $0xb8;
	[tilespmem:$0x15E80] =	vst v63  }
0x40: {  	s26 =	simm.s32 $0x8B00  }
0x41: {  	[tilespmem:s26], [sflag:$0x1] =	stream.indirect_vreg.gather [hbm4b:s9+s7], $0x80, v1, vm0, $0xb8;
	[tilespmem:$0x15E80] =	vst v63  }
0x42: {  	s28 =	simm.s32 $0x9300  }
0x43: {  	[tilespmem:s28], [sflag:$0x1] =	stream.indirect_vreg.gather [hbm4b:s10+s7], $0x80, v1, vm0, $0xb8;
	[tilespmem:$0x15E80] =	vst v63  }
0x44: {  	s29 =	simm.s32 $0x9B00  }
0x45: {  	[tilespmem:s29], [sflag:$0x1] =	stream.indirect_vreg.gather [hbm4b:s11+s7], $0x80, v1, vm0, $0xb8;
	[tilespmem:$0x15E80] =	vst v63  }
0x46: {  	s30 =	simm.s32 $0xA300  }
0x47: {  	[tilespmem:s30], [sflag:$0x1] =	stream.indirect_vreg.gather [hbm4b:s12+s7], $0x80, v1, vm0, $0xb8;
	[tilespmem:$0x15E80] =	vst v63  }
0x48: {  	s31 =	simm.s32 $0xAB00;
	v0 =	vperm.xlane v0, v2  }
0x49: {  	[tilespmem:s31], [sflag:$0x1] =	stream.indirect_vreg.gather [hbm4b:s13+s7], $0x80, v1, vm0, $0xb8;
	[tilespmem:$0x15E80] =	vst v63  }
0x4a: {  	s17 =	simm.s32 $0xB300;
	v0 =	vadd.s32 v3, v0  }
0x4b: {  	[tilespmem:s17], [sflag:$0x1] =	stream.indirect_vreg.gather [hbm4b:s14+s7], $0x80, v1, vm0, $0xb8;
	[tilespmem:$0x15E80] =	vst v63  }
0x4c: {  	s18 =	simm.s32 $0xBB00  }
0x4d: {  	[tilespmem:s18], [sflag:$0x1] =	stream.indirect_vreg.gather [hbm4b:s15+s7], $0x80, v1, vm0, $0xb8;
	[tilespmem:$0x15E80] =	vst v63  }
0x4e: {  	s19 =	simm.s32 $0xC300  }
0x4f: {  	[tilespmem:s19], [sflag:$0x1] =	stream.indirect_vreg.gather [hbm4b:s8+s7], $0x80, v0, vm0, $0xb8;
	[tilespmem:$0x15E80] =	vst v63  }
0x50: {  	s20 =	simm.s32 $0xCB00  }
0x51: {  	[tilespmem:s20], [sflag:$0x1] =	stream.indirect_vreg.gather [hbm4b:s9+s7], $0x80, v0, vm0, $0xb8;
	[tilespmem:$0x15E80] =	vst v63  }
0x52: {  	s21 =	simm.s32 $0xD300  }
0x53: {  	[tilespmem:s21], [sflag:$0x1] =	stream.indirect_vreg.gather [hbm4b:s10+s7], $0x80, v0, vm0, $0xb8;
	[tilespmem:$0x15E80] =	vst v63  }
0x54: {  	s22 =	simm.s32 $0xDB00  }
0x55: {  	[tilespmem:s22], [sflag:$0x1] =	stream.indirect_vreg.gather [hbm4b:s11+s7], $0x80, v0, vm0, $0xb8;
	[tilespmem:$0x15E80] =	vst v63  }
0x56: {  	s23 =	simm.s32 $0xE300  }
0x57: {  	[tilespmem:s23], [sflag:$0x1] =	stream.indirect_vreg.gather [hbm4b:s12+s7], $0x80, v0, vm0, $0xb8;
	[tilespmem:$0x15E80] =	vst v63  }
0x58: {  	s24 =	simm.s32 $0xEB00  }
0x59: {  	[tilespmem:s24], [sflag:$0x1] =	stream.indirect_vreg.gather [hbm4b:s13+s7], $0x80, v0, vm0, $0xb8;
	[tilespmem:$0x15E80] =	vst v63  }
0x5a: {  	s25 =	simm.s32 $0xF300  }
0x5b: {  	[tilespmem:s25], [sflag:$0x1] =	stream.indirect_vreg.gather [hbm4b:s14+s7], $0x80, v0, vm0, $0xb8;
	[tilespmem:$0x15E80] =	vst v63  }
0x5c: {  	s26 =	simm.s32 $0xFB00;
	s28 =	simm.s32 $0x1  }
0x5d: {  	[tilespmem:s26], [sflag:$0x1] =	stream.indirect_vreg.gather [hbm4b:s15+s7], $0x80, v0, vm0, $0xb8;
	[tilespmem:$0x15E80] =	vst v63  }
0x5e: {  	_ =	swait.ge [sflag:s28], $0x10000  }
0x5f: {  	[sflag:s28] =	ssyncset.done $0x0  }
0x60: {  	s29 =	simm.s32 $0x0;
	[sflag:s28] =	ssyncadd.s32 $0xFFFF0000  }
0x61: {  	v0 =	vld [tilespmem:s29+$0x80];
	_ =	sdelay $0x4  }
0x62: {  	v1 =	vshll.u32 v0, $0x3  }
0x63: {  	v0 =	vand.u32 $0x7F, v0;
	v1 =	vand.u32 $0xFFFFFC00, v1  }
0x64: {  	v0 =	vor.u32 v0, v1  }
0x65: {  	v1 =	vor.u32 $0x280, v0;
	_ =	sdelay $0x1  }
0x66: {  	v2 =	vor.u32 $0x200, v0  }
0x67: {  	v3 =	vor.u32 $0x180, v0  }
0x68: {  	v4 =	vor.u32 $0x100, v0  }
0x69: {  	v5 =	vor.u32 $0x80, v0;
	v1 =	vld.idx.msk [tilespmem:v1+s6+$0x0], $0xffff  }
0x6a: {  	v6 =	vld.idx.msk [tilespmem:v0+s6+$0x0], $0xffff  }
0x6b: {  	v0 =	vld.idx.msk [tilespmem:v2+s6+$0x0], $0xffff  }
0x6c: {  	s30 =	sand.u32 $0x70, s7;
	s7 =	sand.u32 $0xE00, s7;
	v2 =	vld.idx.msk [tilespmem:v3+s6+$0x0], $0xffff  }
0x6d: {  	s7 =	sor.u32 s30, s7;
	v3 =	vld.idx.msk [tilespmem:v4+s6+$0x0], $0xffff  }
0x6e: {  	s31 =	simm.s32 $0x10;
	v4 =	vld.idx.msk [tilespmem:v5+s6+$0x0], $0xffff;
	[tilespmem:s7+$0x10300] =	vst v1  }
0x6f: {  	v1 =	vld [tilespmem:s31+$0x80];
	_ =	sdelay $0x2  }
0x70: {  	v5 =	vadd.f32 $0.0e+00, v6;
	_ =	sdelay $0x1  }
0x71: {  	v4 =	vadd.f32 v4, v5;
	v5 =	vshll.u32 v1, $0x3  }
0x72: {  	v1 =	vand.u32 $0x7F, v1;
	v5 =	vand.u32 $0xFFFFFC00, v5  }
0x73: {  	v6 =	vadd.f32 v3, v4;
	v3 =	vor.u32 v1, v5  }
0x74: {  	v4 =	vor.u32 $0x280, v3  }
0x75: {  	s1 =	sadd.s32 $0x400, s1;
	s8 =	simm.s32 $0x40;
	v2 =	vadd.f32 v2, v6  }
0x76: {  	s9 =	simm.s32 $0x10;
	s10 =	simm.s32 $0x30;
	s7 =	simm.s32 $0x20;
	v1 =	vimm.f32 $0.0e+00  }
.LBB2_1:
0x77: {  	p0 =	sne.s32 s10, $0x230;
	v5 =	vor.u32 $0x200, v3;
	v0 =	vadd.f32 v0, v2  }
0x78: {  	v2 =	vor.u32 $0x180, v3  }
0x79: {  	v6 =	vor.u32 $0x100, v3;
	v4 =	vld.idx.msk [tilespmem:v4+s6+$0x0], $0xffff;
	v1 =	vadd.f32 v0, v1  }
0x7a: {  	v7 =	vor.u32 $0x80, v3  }
0x7b: {  	v3 =	vld.idx.msk [tilespmem:v3+s6+$0x0], $0xffff  }
0x7c: {  	v0 =	vld.idx.msk [tilespmem:v5+s6+$0x0], $0xffff  }
0x7d: {  	s11 =	sand.u32 $0x70, s9;
	s12 =	sand.u32 $0xE00, s8;
	s9 =	smov.u32 s7;
	v2 =	vld.idx.msk [tilespmem:v2+s6+$0x0], $0xffff  }
0x7e: {  	s8 =	sadd.s32 $0x40, s8;
	s7 =	smov.u32 s10;
	s11 =	sor.u32 s11, s12;
	v5 =	vld.idx.msk [tilespmem:v6+s6+$0x0], $0xffff  }
0x7f: {  	s12 =	sshra.s32 s8, $0x2;
	v6 =	vld.idx.msk [tilespmem:v7+s6+$0x0], $0xffff;
	[tilespmem:s11+$0x10300] =	vst v4  }
0x80: {  	v4 =	vld [tilespmem:s12+$0x80]  }
0x81: {  	v3 =	vadd.f32 $0.0e+00, v3;
	_ =	sdelay $0x3  }
0x82: {  	v6 =	vadd.f32 v6, v3;
	v7 =	vshll.u32 v4, $0x3  }
.Ltmp0:
0x83: {  	v3 =	vand.u32 $0x7F, v4;
	v4 =	vand.u32 $0xFFFFFC00, v7;
	(pc) =	sbr.rel @p0 .LBB2_1-.Ltmp0, $4  }
0x84: {  	v5 =	vadd.f32 v5, v6;
	v3 =	vor.u32 v3, v4  }
0x85: {  	v4 =	vor.u32 $0x280, v3  }
0x86: {  	v2 =	vadd.f32 v2, v5  }
0x87: {  	s10 =	sadd.s32 $0x10, s10  }
0x88: {  	_ = 	snop  }
0x89: {  	v5 =	vor.u32 $0x200, v3  }
0x8a: {  	v6 =	vor.u32 $0x180, v3  }
0x8b: {  	v7 =	vor.u32 $0x100, v3  }
0x8c: {  	v4 =	vld.idx.msk [tilespmem:v4+s6+$0x0], $0xffff;
	v8 =	vor.u32 $0x80, v3  }
0x8d: {  	v3 =	vld.idx.msk [tilespmem:v3+s6+$0x0], $0xffff  }
0x8e: {  	v5 =	vld.idx.msk [tilespmem:v5+s6+$0x0], $0xffff  }
0x8f: {  	s9 =	sand.u32 $0x70, s9;
	s10 =	sand.u32 $0xE00, s8;
	v6 =	vld.idx.msk [tilespmem:v6+s6+$0x0], $0xffff  }
0x90: {  	s23 =	sadd.s32 $0x40, s8;
	s9 =	sor.u32 s9, s10;
	v7 =	vld.idx.msk [tilespmem:v7+s6+$0x0], $0xffff  }
0x91: {  	s24 =	sshra.s32 s23, $0x2;
	v8 =	vld.idx.msk [tilespmem:v8+s6+$0x0], $0xffff;
	[tilespmem:s9+$0x10300] =	vst v4  }
0x92: {  	v4 =	vld [tilespmem:s24+$0x80];
	_ =	sdelay $0x4  }
0x93: {  	v9 =	vshll.u32 v4, $0x3  }
0x94: {  	v4 =	vand.u32 $0x7F, v4;
	v9 =	vand.u32 $0xFFFFFC00, v9  }
0x95: {  	v4 =	vor.u32 v4, v9;
	_ =	sdelay $0x1  }
0x96: {  	v9 =	vor.u32 $0x80, v4;
	_ =	sdelay $0x1  }
0x97: {  	v10 =	vor.u32 $0x100, v4  }
0x98: {  	v11 =	vld.idx.msk [tilespmem:v4+s6+$0x0], $0xffff  }
0x99: {  	v12 =	vor.u32 $0x180, v4  }
0x9a: {  	v9 =	vld.idx.msk [tilespmem:v9+s6+$0x0], $0xffff  }
0x9b: {  	v3 =	vadd.f32 $0.0e+00, v3;
	v13 =	vor.u32 $0x200, v4  }
0x9c: {  	v10 =	vld.idx.msk [tilespmem:v10+s6+$0x0], $0xffff  }
0x9d: {  	v3 =	vadd.f32 v8, v3;
	v62 =	vadd.f32 $0.0e+00, v11  }
0x9e: {  	v4 =	vor.u32 $0x280, v4;
	v63 =	vld.idx.msk [tilespmem:v12+s6+$0x0], $0xffff  }
0x9f: {  	v3 =	vadd.f32 v7, v3;
	v7 =	vadd.f32 v9, v62  }
0xa0: {  	v0 =	vadd.f32 v0, v2;
	v2 =	vld.idx.msk [tilespmem:v13+s6+$0x0], $0xffff  }
0xa1: {  	v3 =	vadd.f32 v6, v3;
	v6 =	vadd.f32 v10, v7  }
0xa2: {  	v0 =	vadd.f32 v0, v1  }
0xa3: {  	v1 =	vadd.f32 v5, v3;
	v3 =	vld.idx.msk [tilespmem:v4+s6+$0x0], $0xffff;
	v4 =	vadd.f32 v63, v6;
	_ =	sdelay $0x1  }
0xa4: {  	v0 =	vadd.f32 v1, v0;
	v1 =	vadd.f32 v2, v4  }
0xa5: {  	s25 =	sand.u32 $0x70, s7;
	s26 =	sand.u32 $0xE00, s23  }
0xa6: {  	s6 =	sor.u32 s25, s26;
	v0 =	vadd.f32 v1, v0  }
0xa7: {  	[tilespmem:s6+$0x10300] =	vst v3  }
0xa8: {  	s28 =	simm.s32 $0x0;
	[tilespmem:$0x10D00] =	vst v0  }
0xa9: {  	v0 =	vld [tilespmem:s28+$0x80];
	_ =	sdelay $0x4  }
0xaa: {  	v1 =	vshll.u32 v0, $0x3  }
0xab: {  	v0 =	vand.u32 $0x7F, v0;
	v1 =	vand.u32 $0xFFFFFC00, v1  }
0xac: {  	v0 =	vor.u32 v0, v1  }
0xad: {  	v1 =	vadd.s32 $0x4280, v0  }
0xae: {  	v2 =	vadd.s32 $0x4200, v0  }
0xaf: {  	v3 =	vadd.s32 $0x4180, v0  }
0xb0: {  	v4 =	vadd.s32 $0x4100, v0  }
0xb1: {  	s6 =	simm.s32 $0x300;
	v5 =	vadd.s32 $0x4080, v0  }
0xb2: {  	v6 =	vadd.s32 $0x4000, v0;
	v1 =	vld.idx.msk [tilespmem:v1+s6+$0x0], $0xffff  }
0xb3: {  	v0 =	vld.idx.msk [tilespmem:v2+s6+$0x0], $0xffff  }
0xb4: {  	s29 =	simm.s32 $0x0;
	v2 =	vld.idx.msk [tilespmem:v3+s6+$0x0], $0xffff  }
0xb5: {  	s30 =	sand.u32 $0x70, s29;
	s7 =	sand.u32 $0xE00, s29;
	v3 =	vld.idx.msk [tilespmem:v4+s6+$0x0], $0xffff  }
0xb6: {  	s7 =	sor.u32 s30, s7;
	v4 =	vld.idx.msk [tilespmem:v5+s6+$0x0], $0xffff  }
0xb7: {  	s31 =	simm.s32 $0x10;
	v5 =	vld.idx.msk [tilespmem:v6+s6+$0x0], $0xffff;
	[tilespmem:s7+$0x10380] =	vst v1  }
0xb8: {  	v1 =	vld [tilespmem:s31+$0x80];
	_ =	sdelay $0x4  }
0xb9: {  	v5 =	vadd.f32 $0.0e+00, v5;
	v6 =	vshll.u32 v1, $0x3  }
0xba: {  	v1 =	vand.u32 $0x7F, v1;
	v6 =	vand.u32 $0xFFFFFC00, v6  }
0xbb: {  	v7 =	vadd.f32 v4, v5;
	v4 =	vor.u32 v1, v6  }
0xbc: {  	s8 =	simm.s32 $0x40;
	v5 =	vadd.s32 $0x4280, v4  }
0xbd: {  	s10 =	simm.s32 $0x30;
	s9 =	simm.s32 $0x10;
	s7 =	simm.s32 $0x20;
	v3 =	vadd.f32 v3, v7;
	v1 =	vimm.f32 $0.0e+00  }
.LBB2_3:
0xbe: {  	p0 =	sne.s32 s10, $0x230;
	v6 =	vadd.s32 $0x4200, v4  }
0xbf: {  	v7 =	vadd.s32 $0x4180, v4;
	v2 =	vadd.f32 v2, v3  }
0xc0: {  	v3 =	vadd.s32 $0x4100, v4  }
0xc1: {  	v8 =	vadd.s32 $0x4080, v4;
	v5 =	vld.idx.msk [tilespmem:v5+s6+$0x0], $0xffff;
	v2 =	vadd.f32 v0, v2  }
0xc2: {  	v4 =	vadd.s32 $0x4000, v4  }
0xc3: {  	v0 =	vld.idx.msk [tilespmem:v6+s6+$0x0], $0xffff;
	v1 =	vadd.f32 v2, v1  }
0xc4: {  	v2 =	vld.idx.msk [tilespmem:v7+s6+$0x0], $0xffff  }
0xc5: {  	s11 =	sand.u32 $0x70, s9;
	s12 =	sand.u32 $0xE00, s8;
	s9 =	smov.u32 s7;
	v3 =	vld.idx.msk [tilespmem:v3+s6+$0x0], $0xffff  }
0xc6: {  	s8 =	sadd.s32 $0x40, s8;
	s7 =	smov.u32 s10;
	s11 =	sor.u32 s11, s12;
	v6 =	vld.idx.msk [tilespmem:v8+s6+$0x0], $0xffff  }
0xc7: {  	s12 =	sshra.s32 s8, $0x2;
	v4 =	vld.idx.msk [tilespmem:v4+s6+$0x0], $0xffff;
	[tilespmem:s11+$0x10380] =	vst v5  }
0xc8: {  	v5 =	vld [tilespmem:s12+$0x80];
	_ =	sdelay $0x4  }
.Ltmp1:
0xc9: {  	v8 =	vadd.f32 $0.0e+00, v4;
	v7 =	vshll.u32 v5, $0x3;
	(pc) =	sbr.rel @p0 .LBB2_3-.Ltmp1, $4  }
0xca: {  	v4 =	vand.u32 $0x7F, v5;
	v5 =	vand.u32 $0xFFFFFC00, v7  }
0xcb: {  	v6 =	vadd.f32 v6, v8;
	v4 =	vor.u32 v4, v5  }
0xcc: {  	v5 =	vadd.s32 $0x4280, v4  }
0xcd: {  	s10 =	sadd.s32 $0x10, s10;
	v3 =	vadd.f32 v3, v6  }
0xce: {  	v6 =	vadd.s32 $0x4200, v4  }
0xcf: {  	v7 =	vadd.s32 $0x4180, v4  }
0xd0: {  	v8 =	vadd.s32 $0x4100, v4  }
0xd1: {  	v9 =	vadd.s32 $0x4080, v4  }
0xd2: {  	v5 =	vld.idx.msk [tilespmem:v5+s6+$0x0], $0xffff;
	v4 =	vadd.s32 $0x4000, v4  }
0xd3: {  	v6 =	vld.idx.msk [tilespmem:v6+s6+$0x0], $0xffff  }
0xd4: {  	v7 =	vld.idx.msk [tilespmem:v7+s6+$0x0], $0xffff  }
0xd5: {  	s9 =	sand.u32 $0x70, s9;
	s10 =	sand.u32 $0xE00, s8;
	v8 =	vld.idx.msk [tilespmem:v8+s6+$0x0], $0xffff  }
0xd6: {  	s23 =	sadd.s32 $0x40, s8;
	s9 =	sor.u32 s9, s10;
	v9 =	vld.idx.msk [tilespmem:v9+s6+$0x0], $0xffff  }
0xd7: {  	s24 =	sshra.s32 s23, $0x2;
	v4 =	vld.idx.msk [tilespmem:v4+s6+$0x0], $0xffff;
	[tilespmem:s9+$0x10380] =	vst v5  }
0xd8: {  	v5 =	vld [tilespmem:s24+$0x80];
	_ =	sdelay $0x4  }
0xd9: {  	v10 =	vshll.u32 v5, $0x3  }
0xda: {  	v5 =	vand.u32 $0x7F, v5;
	v10 =	vand.u32 $0xFFFFFC00, v10  }
0xdb: {  	v5 =	vor.u32 v5, v10  }
0xdc: {  	v10 =	vadd.s32 $0x4000, v5;
	_ =	sdelay $0x1  }
0xdd: {  	v11 =	vadd.s32 $0x4080, v5;
	_ =	sdelay $0x1  }
0xde: {  	v12 =	vadd.s32 $0x4100, v5  }
0xdf: {  	v10 =	vld.idx.msk [tilespmem:v10+s6+$0x0], $0xffff  }
0xe0: {  	v13 =	vadd.s32 $0x4180, v5  }
0xe1: {  	v11 =	vld.idx.msk [tilespmem:v11+s6+$0x0], $0xffff  }
0xe2: {  	v4 =	vadd.f32 $0.0e+00, v4;
	v14 =	vadd.s32 $0x4200, v5  }
0xe3: {  	v12 =	vld.idx.msk [tilespmem:v12+s6+$0x0], $0xffff  }
0xe4: {  	v4 =	vadd.f32 v9, v4;
	v62 =	vadd.f32 $0.0e+00, v10  }
0xe5: {  	v2 =	vadd.f32 v2, v3;
	v3 =	vadd.s32 $0x4280, v5;
	v5 =	vld.idx.msk [tilespmem:v13+s6+$0x0], $0xffff  }
0xe6: {  	v4 =	vadd.f32 v8, v4;
	v63 =	vadd.f32 v11, v62  }
0xe7: {  	v0 =	vadd.f32 v0, v2;
	v2 =	vld.idx.msk [tilespmem:v14+s6+$0x0], $0xffff  }
0xe8: {  	v4 =	vadd.f32 v7, v4;
	v7 =	vadd.f32 v12, v63  }
0xe9: {  	v0 =	vadd.f32 v0, v1  }
0xea: {  	v1 =	vld.idx.msk [tilespmem:v3+s6+$0x0], $0xffff;
	v3 =	vadd.f32 v6, v4;
	v4 =	vadd.f32 v5, v7;
	_ =	sdelay $0x1  }
0xeb: {  	v0 =	vadd.f32 v3, v0;
	v2 =	vadd.f32 v2, v4  }
0xec: {  	s25 =	sand.u32 $0x70, s7;
	s26 =	sand.u32 $0xE00, s23  }
0xed: {  	s6 =	sor.u32 s25, s26;
	v0 =	vadd.f32 v2, v0  }
0xee: {  	[tilespmem:s6+$0x10380] =	vst v1  }
0xef: {  	s28 =	simm.s32 $0x0;
	[tilespmem:$0x10D80] =	vst v0  }
0xf0: {  	v0 =	vld [tilespmem:s28+$0x80];
	_ =	sdelay $0x4  }
0xf1: {  	v1 =	vshll.u32 v0, $0x3  }
0xf2: {  	v0 =	vand.u32 $0x7F, v0;
	v1 =	vand.u32 $0xFFFFFC00, v1  }
0xf3: {  	v0 =	vor.u32 v0, v1  }
0xf4: {  	v1 =	vadd.s32 $0x8280, v0  }
0xf5: {  	v2 =	vadd.s32 $0x8200, v0  }
0xf6: {  	v3 =	vadd.s32 $0x8180, v0  }
0xf7: {  	v4 =	vadd.s32 $0x8100, v0  }
0xf8: {  	s6 =	simm.s32 $0x300;
	v5 =	vadd.s32 $0x8080, v0  }
0xf9: {  	v6 =	vadd.s32 $0x8000, v0;
	v1 =	vld.idx.msk [tilespmem:v1+s6+$0x0], $0xffff  }
0xfa: {  	v0 =	vld.idx.msk [tilespmem:v2+s6+$0x0], $0xffff  }
0xfb: {  	s29 =	simm.s32 $0x0;
	v2 =	vld.idx.msk [tilespmem:v3+s6+$0x0], $0xffff  }
0xfc: {  	s30 =	sand.u32 $0x70, s29;
	s7 =	sand.u32 $0xE00, s29;
	v3 =	vld.idx.msk [tilespmem:v4+s6+$0x0], $0xffff  }
0xfd: {  	s7 =	sor.u32 s30, s7;
	v4 =	vld.idx.msk [tilespmem:v5+s6+$0x0], $0xffff  }
0xfe: {  	s31 =	simm.s32 $0x10;
	v5 =	vld.idx.msk [tilespmem:v6+s6+$0x0], $0xffff;
	[tilespmem:s7+$0x10400] =	vst v1  }
0xff: {  	v1 =	vld [tilespmem:s31+$0x80];
	_ =	sdelay $0x4  }
0x100: {  	v5 =	vadd.f32 $0.0e+00, v5;
	v6 =	vshll.u32 v1, $0x3  }
0x101: {  	v1 =	vand.u32 $0x7F, v1;
	v6 =	vand.u32 $0xFFFFFC00, v6  }
0x102: {  	v7 =	vadd.f32 v4, v5;
	v4 =	vor.u32 v1, v6  }
0x103: {  	s8 =	simm.s32 $0x40;
	v5 =	vadd.s32 $0x8280, v4  }
0x104: {  	s10 =	simm.s32 $0x30;
	s9 =	simm.s32 $0x10;
	s7 =	simm.s32 $0x20;
	v3 =	vadd.f32 v3, v7;
	v1 =	vimm.f32 $0.0e+00  }
.LBB2_5:
0x105: {  	p0 =	sne.s32 s10, $0x230;
	v6 =	vadd.s32 $0x8200, v4  }
0x106: {  	v7 =	vadd.s32 $0x8180, v4;
	v2 =	vadd.f32 v2, v3  }
0x107: {  	v3 =	vadd.s32 $0x8100, v4  }
0x108: {  	v8 =	vadd.s32 $0x8080, v4;
	v5 =	vld.idx.msk [tilespmem:v5+s6+$0x0], $0xffff;
	v2 =	vadd.f32 v0, v2  }
0x109: {  	v4 =	vadd.s32 $0x8000, v4  }
0x10a: {  	v0 =	vld.idx.msk [tilespmem:v6+s6+$0x0], $0xffff;
	v1 =	vadd.f32 v2, v1  }
0x10b: {  	v2 =	vld.idx.msk [tilespmem:v7+s6+$0x0], $0xffff  }
0x10c: {  	s11 =	sand.u32 $0x70, s9;
	s12 =	sand.u32 $0xE00, s8;
	s9 =	smov.u32 s7;
	v3 =	vld.idx.msk [tilespmem:v3+s6+$0x0], $0xffff  }
0x10d: {  	s8 =	sadd.s32 $0x40, s8;
	s7 =	smov.u32 s10;
	s11 =	sor.u32 s11, s12;
	v6 =	vld.idx.msk [tilespmem:v8+s6+$0x0], $0xffff  }
0x10e: {  	s12 =	sshra.s32 s8, $0x2;
	v4 =	vld.idx.msk [tilespmem:v4+s6+$0x0], $0xffff;
	[tilespmem:s11+$0x10400] =	vst v5  }
0x10f: {  	v5 =	vld [tilespmem:s12+$0x80];
	_ =	sdelay $0x4  }
.Ltmp2:
0x110: {  	v8 =	vadd.f32 $0.0e+00, v4;
	v7 =	vshll.u32 v5, $0x3;
	(pc) =	sbr.rel @p0 .LBB2_5-.Ltmp2, $4  }
0x111: {  	v4 =	vand.u32 $0x7F, v5;
	v5 =	vand.u32 $0xFFFFFC00, v7  }
0x112: {  	v6 =	vadd.f32 v6, v8;
	v4 =	vor.u32 v4, v5  }
0x113: {  	v5 =	vadd.s32 $0x8280, v4  }
0x114: {  	s10 =	sadd.s32 $0x10, s10;
	v3 =	vadd.f32 v3, v6  }
0x115: {  	v6 =	vadd.s32 $0x8200, v4  }
0x116: {  	v7 =	vadd.s32 $0x8180, v4  }
0x117: {  	v8 =	vadd.s32 $0x8100, v4  }
0x118: {  	v9 =	vadd.s32 $0x8080, v4  }
0x119: {  	v5 =	vld.idx.msk [tilespmem:v5+s6+$0x0], $0xffff;
	v4 =	vadd.s32 $0x8000, v4  }
0x11a: {  	v6 =	vld.idx.msk [tilespmem:v6+s6+$0x0], $0xffff  }
0x11b: {  	v7 =	vld.idx.msk [tilespmem:v7+s6+$0x0], $0xffff  }
0x11c: {  	s9 =	sand.u32 $0x70, s9;
	s10 =	sand.u32 $0xE00, s8;
	v8 =	vld.idx.msk [tilespmem:v8+s6+$0x0], $0xffff  }
0x11d: {  	s23 =	sadd.s32 $0x40, s8;
	s9 =	sor.u32 s9, s10;
	v9 =	vld.idx.msk [tilespmem:v9+s6+$0x0], $0xffff  }
0x11e: {  	s24 =	sshra.s32 s23, $0x2;
	v4 =	vld.idx.msk [tilespmem:v4+s6+$0x0], $0xffff;
	[tilespmem:s9+$0x10400] =	vst v5  }
0x11f: {  	v5 =	vld [tilespmem:s24+$0x80];
	_ =	sdelay $0x4  }
0x120: {  	v10 =	vshll.u32 v5, $0x3  }
0x121: {  	v5 =	vand.u32 $0x7F, v5;
	v10 =	vand.u32 $0xFFFFFC00, v10  }
0x122: {  	v5 =	vor.u32 v5, v10  }
0x123: {  	v10 =	vadd.s32 $0x8000, v5;
	_ =	sdelay $0x1  }
0x124: {  	v11 =	vadd.s32 $0x8080, v5;
	_ =	sdelay $0x1  }
0x125: {  	v12 =	vadd.s32 $0x8100, v5  }
0x126: {  	v10 =	vld.idx.msk [tilespmem:v10+s6+$0x0], $0xffff  }
0x127: {  	v13 =	vadd.s32 $0x8180, v5  }
0x128: {  	v11 =	vld.idx.msk [tilespmem:v11+s6+$0x0], $0xffff  }
0x129: {  	v4 =	vadd.f32 $0.0e+00, v4;
	v14 =	vadd.s32 $0x8200, v5  }
0x12a: {  	v12 =	vld.idx.msk [tilespmem:v12+s6+$0x0], $0xffff  }
0x12b: {  	v4 =	vadd.f32 v9, v4;
	v62 =	vadd.f32 $0.0e+00, v10  }
0x12c: {  	v2 =	vadd.f32 v2, v3;
	v3 =	vadd.s32 $0x8280, v5;
	v5 =	vld.idx.msk [tilespmem:v13+s6+$0x0], $0xffff  }
0x12d: {  	v4 =	vadd.f32 v8, v4;
	v63 =	vadd.f32 v11, v62  }
0x12e: {  	v0 =	vadd.f32 v0, v2;
	v2 =	vld.idx.msk [tilespmem:v14+s6+$0x0], $0xffff  }
0x12f: {  	v4 =	vadd.f32 v7, v4;
	v7 =	vadd.f32 v12, v63  }
0x130: {  	v0 =	vadd.f32 v0, v1  }
0x131: {  	v1 =	vld.idx.msk [tilespmem:v3+s6+$0x0], $0xffff;
	v3 =	vadd.f32 v6, v4;
	v4 =	vadd.f32 v5, v7;
	_ =	sdelay $0x1  }
0x132: {  	v0 =	vadd.f32 v3, v0;
	v2 =	vadd.f32 v2, v4  }
0x133: {  	s25 =	sand.u32 $0x70, s7;
	s26 =	sand.u32 $0xE00, s23  }
0x134: {  	s6 =	sor.u32 s25, s26;
	v0 =	vadd.f32 v2, v0  }
0x135: {  	[tilespmem:s6+$0x10400] =	vst v1  }
0x136: {  	s28 =	simm.s32 $0x0;
	[tilespmem:$0x10E00] =	vst v0  }
0x137: {  	v0 =	vld [tilespmem:s28+$0x80];
	_ =	sdelay $0x4  }
0x138: {  	v1 =	vshll.u32 v0, $0x3  }
0x139: {  	v0 =	vand.u32 $0x7F, v0;
	v1 =	vand.u32 $0xFFFFFC00, v1  }
0x13a: {  	v0 =	vor.u32 v0, v1  }
0x13b: {  	v1 =	vadd.s32 $0xC280, v0  }
0x13c: {  	v2 =	vadd.s32 $0xC200, v0  }
0x13d: {  	v3 =	vadd.s32 $0xC180, v0  }
0x13e: {  	v4 =	vadd.s32 $0xC100, v0  }
0x13f: {  	s6 =	simm.s32 $0x300;
	v5 =	vadd.s32 $0xC080, v0  }
0x140: {  	v6 =	vadd.s32 $0xC000, v0;
	v1 =	vld.idx.msk [tilespmem:v1+s6+$0x0], $0xffff  }
0x141: {  	v0 =	vld.idx.msk [tilespmem:v2+s6+$0x0], $0xffff  }
0x142: {  	s29 =	simm.s32 $0x0;
	v2 =	vld.idx.msk [tilespmem:v3+s6+$0x0], $0xffff  }
0x143: {  	s30 =	sand.u32 $0x70, s29;
	s7 =	sand.u32 $0xE00, s29;
	v3 =	vld.idx.msk [tilespmem:v4+s6+$0x0], $0xffff  }
0x144: {  	s7 =	sor.u32 s30, s7;
	v4 =	vld.idx.msk [tilespmem:v5+s6+$0x0], $0xffff  }
0x145: {  	s31 =	simm.s32 $0x10;
	v5 =	vld.idx.msk [tilespmem:v6+s6+$0x0], $0xffff;
	[tilespmem:s7+$0x10480] =	vst v1  }
0x146: {  	v1 =	vld [tilespmem:s31+$0x80];
	_ =	sdelay $0x4  }
0x147: {  	v5 =	vadd.f32 $0.0e+00, v5;
	v6 =	vshll.u32 v1, $0x3  }
0x148: {  	v1 =	vand.u32 $0x7F, v1;
	v6 =	vand.u32 $0xFFFFFC00, v6  }
0x149: {  	v7 =	vadd.f32 v4, v5;
	v4 =	vor.u32 v1, v6  }
0x14a: {  	s8 =	simm.s32 $0x40;
	v5 =	vadd.s32 $0xC280, v4  }
0x14b: {  	s10 =	simm.s32 $0x30;
	s9 =	simm.s32 $0x10;
	s7 =	simm.s32 $0x20;
	v3 =	vadd.f32 v3, v7;
	v1 =	vimm.f32 $0.0e+00  }
.LBB2_7:
0x14c: {  	p0 =	sne.s32 s10, $0x230;
	v6 =	vadd.s32 $0xC200, v4  }
0x14d: {  	v7 =	vadd.s32 $0xC180, v4;
	v2 =	vadd.f32 v2, v3  }
0x14e: {  	v3 =	vadd.s32 $0xC100, v4  }
0x14f: {  	v8 =	vadd.s32 $0xC080, v4;
	v5 =	vld.idx.msk [tilespmem:v5+s6+$0x0], $0xffff;
	v2 =	vadd.f32 v0, v2  }
0x150: {  	v4 =	vadd.s32 $0xC000, v4  }
0x151: {  	v0 =	vld.idx.msk [tilespmem:v6+s6+$0x0], $0xffff;
	v1 =	vadd.f32 v2, v1  }
0x152: {  	v2 =	vld.idx.msk [tilespmem:v7+s6+$0x0], $0xffff  }
0x153: {  	s11 =	sand.u32 $0x70, s9;
	s12 =	sand.u32 $0xE00, s8;
	s9 =	smov.u32 s7;
	v3 =	vld.idx.msk [tilespmem:v3+s6+$0x0], $0xffff  }
0x154: {  	s8 =	sadd.s32 $0x40, s8;
	s7 =	smov.u32 s10;
	s11 =	sor.u32 s11, s12;
	v6 =	vld.idx.msk [tilespmem:v8+s6+$0x0], $0xffff  }
0x155: {  	s12 =	sshra.s32 s8, $0x2;
	v4 =	vld.idx.msk [tilespmem:v4+s6+$0x0], $0xffff;
	[tilespmem:s11+$0x10480] =	vst v5  }
0x156: {  	v5 =	vld [tilespmem:s12+$0x80];
	_ =	sdelay $0x4  }
.Ltmp3:
0x157: {  	v8 =	vadd.f32 $0.0e+00, v4;
	v7 =	vshll.u32 v5, $0x3;
	(pc) =	sbr.rel @p0 .LBB2_7-.Ltmp3, $4  }
0x158: {  	v4 =	vand.u32 $0x7F, v5;
	v5 =	vand.u32 $0xFFFFFC00, v7  }
0x159: {  	v6 =	vadd.f32 v6, v8;
	v4 =	vor.u32 v4, v5  }
0x15a: {  	v5 =	vadd.s32 $0xC280, v4  }
0x15b: {  	s10 =	sadd.s32 $0x10, s10;
	v3 =	vadd.f32 v3, v6  }
0x15c: {  	v6 =	vadd.s32 $0xC200, v4  }
0x15d: {  	v7 =	vadd.s32 $0xC180, v4  }
0x15e: {  	v8 =	vadd.s32 $0xC100, v4  }
0x15f: {  	v9 =	vadd.s32 $0xC080, v4  }
0x160: {  	v5 =	vld.idx.msk [tilespmem:v5+s6+$0x0], $0xffff;
	v4 =	vadd.s32 $0xC000, v4  }
0x161: {  	v6 =	vld.idx.msk [tilespmem:v6+s6+$0x0], $0xffff  }
0x162: {  	v7 =	vld.idx.msk [tilespmem:v7+s6+$0x0], $0xffff  }
0x163: {  	s9 =	sand.u32 $0x70, s9;
	s10 =	sand.u32 $0xE00, s8;
	v8 =	vld.idx.msk [tilespmem:v8+s6+$0x0], $0xffff  }
0x164: {  	s17 =	sadd.s32 $0x40, s8;
	s9 =	sor.u32 s9, s10;
	v9 =	vld.idx.msk [tilespmem:v9+s6+$0x0], $0xffff  }
0x165: {  	s18 =	sshra.s32 s17, $0x2;
	v4 =	vld.idx.msk [tilespmem:v4+s6+$0x0], $0xffff;
	[tilespmem:s9+$0x10480] =	vst v5  }
0x166: {  	v5 =	vld [tilespmem:s18+$0x80];
	_ =	sdelay $0x4  }
0x167: {  	v10 =	vshll.u32 v5, $0x3  }
0x168: {  	v5 =	vand.u32 $0x7F, v5;
	v10 =	vand.u32 $0xFFFFFC00, v10  }
0x169: {  	v5 =	vor.u32 v5, v10  }
0x16a: {  	v10 =	vadd.s32 $0xC000, v5;
	_ =	sdelay $0x1  }
0x16b: {  	v11 =	vadd.s32 $0xC080, v5;
	_ =	sdelay $0x1  }
0x16c: {  	v12 =	vadd.s32 $0xC100, v5  }
0x16d: {  	v10 =	vld.idx.msk [tilespmem:v10+s6+$0x0], $0xffff  }
0x16e: {  	v13 =	vadd.s32 $0xC180, v5  }
0x16f: {  	v11 =	vld.idx.msk [tilespmem:v11+s6+$0x0], $0xffff  }
0x170: {  	v4 =	vadd.f32 $0.0e+00, v4;
	v14 =	vadd.s32 $0xC200, v5  }
0x171: {  	v12 =	vld.idx.msk [tilespmem:v12+s6+$0x0], $0xffff  }
0x172: {  	v4 =	vadd.f32 v9, v4;
	v57 =	vadd.f32 $0.0e+00, v10  }
0x173: {  	v2 =	vadd.f32 v2, v3;
	v3 =	vadd.s32 $0xC280, v5;
	v5 =	vld.idx.msk [tilespmem:v13+s6+$0x0], $0xffff  }
0x174: {  	v4 =	vadd.f32 v8, v4;
	v58 =	vadd.f32 v11, v57  }
0x175: {  	v0 =	vadd.f32 v0, v2;
	v2 =	vld.idx.msk [tilespmem:v14+s6+$0x0], $0xffff  }
0x176: {  	v4 =	vadd.f32 v7, v4;
	v7 =	vadd.f32 v12, v58  }
0x177: {  	v0 =	vadd.f32 v0, v1  }
0x178: {  	v1 =	vld.idx.msk [tilespmem:v3+s6+$0x0], $0xffff;
	v3 =	vadd.f32 v6, v4;
	v4 =	vadd.f32 v5, v7;
	_ =	sdelay $0x1  }
0x179: {  	v0 =	vadd.f32 v3, v0;
	v2 =	vadd.f32 v2, v4  }
0x17a: {  	s19 =	sand.u32 $0x70, s7;
	s20 =	sand.u32 $0xE00, s17  }
0x17b: {  	s6 =	sor.u32 s19, s20;
	v0 =	vadd.f32 v2, v0  }
0x17c: {  	s21 =	sshll.u32 s3, $0x9;
	[tilespmem:s6+$0x10480] =	vst v1  }
0x17d: {  	s22 =	simm.s32 $0x10D00;
	s23 =	simm.s32 $0x2;
	s6 =	sadd.s32 s21, s5;
	[tilespmem:$0x10E80] =	vst v0  }
0x17e: {  	[spmem:s6] =	stream.linear.scatter [tilespmem:s22], [sflag:$0x2], $0x200, $0x38;
	[tilespmem:$0x15E80] =	vst v63  }
0x17f: {  	_ =	swait.ge [sflag:s23], $0x200  }
0x180: {  	v0 =	vlaneseq.u32;
	[sflag:s23] =	ssyncset.done $0x0  }
0x181: {  	v1 =	vmul.u32 $0x80, v0;
	[sflag:s23] =	ssyncadd.s32 $0xFFFFFE00  }
0x182: {  	s24 =	simm.s32 $0x10F00;
	[bflag:$0x0] =	sbarrier.arrive $0xFFFF  }
0x183: {  	v2 =	vor.u32 $0x1, v1;
	[tilespmem:s24], [sflag:$0x2] =	stream.linear.gather [spmem:s5], $0x2000, $0x38;
	[tilespmem:$0x15E80] =	vst v63  }
0x184: {  	v3 =	vor.u32 $0x2, v1;
	_ =	swait.ge [sflag:s23], $0x2000  }
0x185: {  	v4 =	vor.u32 $0x3, v1;
	[sflag:s23] =	ssyncset.done $0x0  }
0x186: {  	v5 =	vor.u32 $0x4, v1;
	[sflag:s23] =	ssyncadd.s32 $0xFFFFE000  }
0x187: {  	v6 =	vor.u32 $0x5, v1;
	v59 =	vld.idx.msk [tilespmem:v1+s24+$0x0], $0xffff  }
0x188: {  	v20 =	vor.u32 $0x800, v1;
	v60 =	vld.idx.msk [tilespmem:v2+s24+$0x0], $0xffff  }
0x189: {  	v21 =	vor.u32 $0x801, v1;
	v61 =	vld.idx.msk [tilespmem:v3+s24+$0x0], $0xffff  }
0x18a: {  	v22 =	vor.u32 $0x802, v1;
	v62 =	vld.idx.msk [tilespmem:v4+s24+$0x0], $0xffff  }
0x18b: {  	v23 =	vor.u32 $0x805, v1;
	v63 =	vld.idx.msk [tilespmem:v5+s24+$0x0], $0xffff  }
0x18c: {  	v24 =	vor.u32 $0x806, v1;
	v13 =	vld.idx.msk [tilespmem:v6+s24+$0x0], $0xffff  }
0x18d: {  	v25 =	vor.u32 $0x807, v1;
	v20 =	vld.idx.msk [tilespmem:v20+s24+$0x0], $0xffff  }
0x18e: {  	v26 =	vor.u32 $0x808, v1;
	v21 =	vld.idx.msk [tilespmem:v21+s24+$0x0], $0xffff  }
0x18f: {  	v27 =	vor.u32 $0x809, v1;
	v22 =	vld.idx.msk [tilespmem:v22+s24+$0x0], $0xffff  }
0x190: {  	v28 =	vor.u32 $0x80A, v1;
	v23 =	vld.idx.msk [tilespmem:v23+s24+$0x0], $0xffff  }
0x191: {  	v29 =	vor.u32 $0x80B, v1;
	v24 =	vld.idx.msk [tilespmem:v24+s24+$0x0], $0xffff  }
0x192: {  	v30 =	vor.u32 $0x80C, v1;
	v25 =	vld.idx.msk [tilespmem:v25+s24+$0x0], $0xffff  }
0x193: {  	v31 =	vor.u32 $0x80D, v1;
	v26 =	vld.idx.msk [tilespmem:v26+s24+$0x0], $0xffff  }
0x194: {  	v32 =	vor.u32 $0x80E, v1;
	v27 =	vld.idx.msk [tilespmem:v27+s24+$0x0], $0xffff  }
0x195: {  	v33 =	vor.u32 $0x80F, v1;
	v28 =	vld.idx.msk [tilespmem:v28+s24+$0x0], $0xffff  }
0x196: {  	v34 =	vor.u32 $0x1000, v1;
	v29 =	vld.idx.msk [tilespmem:v29+s24+$0x0], $0xffff  }
0x197: {  	v35 =	vor.u32 $0x1800, v1;
	v30 =	vld.idx.msk [tilespmem:v30+s24+$0x0], $0xffff  }
0x198: {  	v36 =	vor.u32 $0x1001, v1;
	v31 =	vld.idx.msk [tilespmem:v31+s24+$0x0], $0xffff  }
0x199: {  	v37 =	vor.u32 $0x1801, v1;
	v32 =	vld.idx.msk [tilespmem:v32+s24+$0x0], $0xffff  }
0x19a: {  	v38 =	vor.u32 $0x1002, v1;
	v33 =	vld.idx.msk [tilespmem:v33+s24+$0x0], $0xffff  }
0x19b: {  	v39 =	vor.u32 $0x1802, v1;
	v34 =	vld.idx.msk [tilespmem:v34+s24+$0x0], $0xffff  }
0x19c: {  	v40 =	vor.u32 $0x1003, v1;
	v35 =	vld.idx.msk [tilespmem:v35+s24+$0x0], $0xffff  }
0x19d: {  	v41 =	vor.u32 $0x1803, v1;
	v36 =	vld.idx.msk [tilespmem:v36+s24+$0x0], $0xffff  }
0x19e: {  	v42 =	vor.u32 $0x1004, v1;
	v37 =	vld.idx.msk [tilespmem:v37+s24+$0x0], $0xffff  }
0x19f: {  	v43 =	vor.u32 $0x1804, v1;
	v38 =	vld.idx.msk [tilespmem:v38+s24+$0x0], $0xffff  }
0x1a0: {  	v2 =	vor.u32 $0x6, v1;
	v39 =	vld.idx.msk [tilespmem:v39+s24+$0x0], $0xffff  }
0x1a1: {  	v3 =	vor.u32 $0x7, v1;
	v40 =	vld.idx.msk [tilespmem:v40+s24+$0x0], $0xffff  }
0x1a2: {  	v44 =	vor.u32 $0x1005, v1;
	v53 =	vld.idx.msk [tilespmem:v41+s24+$0x0], $0xffff  }
0x1a3: {  	v5 =	vor.u32 $0x9, v1;
	v54 =	vld.idx.msk [tilespmem:v42+s24+$0x0], $0xffff  }
0x1a4: {  	v6 =	vor.u32 $0xA, v1;
	v57 =	vld.idx.msk [tilespmem:v43+s24+$0x0], $0xffff  }
0x1a5: {  	v48 =	vld.idx.msk [tilespmem:v2+s24+$0x0], $0xffff;
	v2 =	vor.u32 $0xB, v1  }
0x1a6: {  	v15 =	vld.idx.msk [tilespmem:v3+s24+$0x0], $0xffff;
	v3 =	vor.u32 $0xC, v1  }
0x1a7: {  	v18 =	vor.u32 $0xE, v1;
	v58 =	vld.idx.msk [tilespmem:v44+s24+$0x0], $0xffff  }
0x1a8: {  	v49 =	vor.u32 $0x803, v1;
	v17 =	vld.idx.msk [tilespmem:v5+s24+$0x0], $0xffff  }
0x1a9: {  	v19 =	vor.u32 $0xF, v1;
	v7 =	vld.idx.msk [tilespmem:v6+s24+$0x0], $0xffff  }
0x1aa: {  	v50 =	vor.u32 $0x804, v1;
	v6 =	vld.idx.msk [tilespmem:v2+s24+$0x0], $0xffff  }
0x1ab: {  	v45 =	vor.u32 $0x1805, v1;
	v56 =	vor.u32 $0x1007, v1;
	v5 =	vld.idx.msk [tilespmem:v3+s24+$0x0], $0xffff  }
0x1ac: {  	v4 =	vor.u32 $0x8, v1;
	v8 =	vadd.f32 $0.0e+00, v59;
	v20 =	vadd.f32 $0.0e+00, v20;
	v3 =	vld.idx.msk [tilespmem:v18+s24+$0x0], $0xffff  }
0x1ad: {  	v52 =	vor.u32 $0x1006, v1;
	v34 =	vadd.f32 $0.0e+00, v34;
	v35 =	vadd.f32 $0.0e+00, v35;
	v18 =	vld.idx.msk [tilespmem:v49+s24+$0x0], $0xffff  }
0x1ae: {  	v55 =	vor.u32 $0x1806, v1;
	v8 =	vadd.f32 v60, v8;
	v51 =	vadd.f32 v21, v20;
	v2 =	vld.idx.msk [tilespmem:v19+s24+$0x0], $0xffff  }
0x1af: {  	v47 =	vor.u32 $0x180B, v1;
	v34 =	vadd.f32 v36, v34;
	v35 =	vadd.f32 v37, v35;
	v19 =	vld.idx.msk [tilespmem:v50+s24+$0x0], $0xffff  }
0x1b0: {  	v10 =	vld.idx.msk [tilespmem:v56+s24+$0x0], $0xffff;
	v41 =	vor.u32 $0x1809, v1;
	v8 =	vadd.f32 v61, v8;
	v9 =	vadd.f32 v22, v51  }
0x1b1: {  	v16 =	vld.idx.msk [tilespmem:v4+s24+$0x0], $0xffff;
	v59 =	vor.u32 $0x1807, v1;
	v34 =	vadd.f32 v38, v34;
	v35 =	vadd.f32 v39, v35  }
0x1b2: {  	v60 =	vor.u32 $0x1008, v1;
	v61 =	vld.idx.msk [tilespmem:v45+s24+$0x0], $0xffff;
	v8 =	vadd.f32 v62, v8;
	v9 =	vadd.f32 v18, v9  }
0x1b3: {  	v20 =	vld.idx.msk [tilespmem:v52+s24+$0x0], $0xffff;
	v34 =	vadd.f32 v40, v34;
	v21 =	vadd.f32 v53, v35;
	v62 =	vor.u32 $0x1808, v1  }
0x1b4: {  	v4 =	vor.u32 $0xD, v1;
	v40 =	vld.idx.msk [tilespmem:v55+s24+$0x0], $0xffff;
	v8 =	vadd.f32 v63, v8;
	v9 =	vadd.f32 v19, v9  }
0x1b5: {  	v22 =	vld.idx.msk [tilespmem:v41+s24+$0x0], $0xffff;
	v63 =	vor.u32 $0x1009, v1;
	v34 =	vadd.f32 v54, v34;
	v21 =	vadd.f32 v57, v21  }
0x1b6: {  	v42 =	vor.u32 $0x100A, v1;
	v43 =	vld.idx.msk [tilespmem:v59+s24+$0x0], $0xffff;
	v8 =	vadd.f32 v13, v8;
	v9 =	vadd.f32 v23, v9  }
0x1b7: {  	v44 =	vor.u32 $0x180A, v1;
	v11 =	vld.idx.msk [tilespmem:v60+s24+$0x0], $0xffff;
	v34 =	vadd.f32 v58, v34;
	v18 =	vadd.f32 v61, v21  }
0x1b8: {  	v45 =	vor.u32 $0x100B, v1;
	v46 =	vld.idx.msk [tilespmem:v62+s24+$0x0], $0xffff;
	v8 =	vadd.f32 v48, v8;
	v9 =	vadd.f32 v24, v9  }
0x1b9: {  	v56 =	vor.u32 $0x180E, v1;
	v4 =	vld.idx.msk [tilespmem:v4+s24+$0x0], $0xffff;
	v20 =	vadd.f32 v20, v34;
	v18 =	vadd.f32 v40, v18  }
0x1ba: {  	v49 =	vor.u32 $0x180C, v1;
	v12 =	vld.idx.msk [tilespmem:v63+s24+$0x0], $0xffff;
	v8 =	vadd.f32 v15, v8;
	v9 =	vadd.f32 v25, v9  }
0x1bb: {  	v13 =	vld.idx.msk [tilespmem:v42+s24+$0x0], $0xffff;
	v48 =	vor.u32 $0x100C, v1;
	v10 =	vadd.f32 v10, v20;
	v18 =	vadd.f32 v43, v18  }
0x1bc: {  	v50 =	vor.u32 $0x100D, v1;
	v21 =	vld.idx.msk [tilespmem:v44+s24+$0x0], $0xffff;
	v8 =	vadd.f32 v16, v8;
	v9 =	vadd.f32 v26, v9  }
0x1bd: {  	v53 =	vor.u32 $0x180D, v1;
	v51 =	vld.idx.msk [tilespmem:v45+s24+$0x0], $0xffff;
	v10 =	vadd.f32 v11, v10;
	v52 =	vadd.f32 v46, v18  }
0x1be: {  	v54 =	vor.u32 $0x100E, v1;
	v19 =	vld.idx.msk [tilespmem:v47+s24+$0x0], $0xffff;
	v8 =	vadd.f32 v17, v8;
	v9 =	vadd.f32 v27, v9  }
0x1bf: {  	v58 =	vor.u32 $0x100F, v1;
	v20 =	vld.idx.msk [tilespmem:v49+s24+$0x0], $0xffff;
	v10 =	vadd.f32 v12, v10;
	v14 =	vadd.f32 v22, v52  }
0x1c0: {  	v1 =	vor.u32 $0x180F, v1;
	v55 =	vld.idx.msk [tilespmem:v48+s24+$0x0], $0xffff;
	v7 =	vadd.f32 v7, v8;
	v57 =	vadd.f32 v28, v9  }
0x1c1: {  	v60 =	vld.idx.msk [tilespmem:v50+s24+$0x0], $0xffff;
	v10 =	vadd.f32 v13, v10;
	v59 =	vadd.f32 v21, v14  }
0x1c2: {  	v61 =	vld.idx.msk [tilespmem:v53+s24+$0x0], $0xffff;
	v6 =	vadd.f32 v6, v7;
	v7 =	vadd.f32 v29, v57  }
0x1c3: {  	v63 =	vld.idx.msk [tilespmem:v54+s24+$0x0], $0xffff;
	v10 =	vadd.f32 v51, v10;
	v62 =	vadd.f32 v19, v59  }
0x1c4: {  	v5 =	vadd.f32 v5, v6;
	v6 =	vadd.f32 v30, v7;
	v7 =	vld.idx.msk [tilespmem:v56+s24+$0x0], $0xffff  }
0x1c5: {  	v1 =	vld.idx.msk [tilespmem:v1+s24+$0x0], $0xffff;
	v10 =	vadd.f32 v55, v10;
	v11 =	vadd.f32 v20, v62  }
0x1c6: {  	v9 =	vld.idx.msk [tilespmem:v58+s24+$0x0], $0xffff;
	v4 =	vadd.f32 v4, v5;
	v5 =	vadd.f32 v31, v6  }
0x1c7: {  	v8 =	vadd.f32 v61, v11;
	v6 =	vadd.f32 v60, v10  }
0x1c8: {  	v3 =	vadd.f32 v3, v4;
	v4 =	vadd.f32 v32, v5  }
0x1c9: {  	v5 =	vadd.f32 v63, v6;
	v6 =	vadd.f32 v7, v8  }
0x1ca: {  	v2 =	vadd.f32 v2, v3;
	v3 =	vadd.f32 v33, v4  }
0x1cb: {  	v4 =	vadd.f32 v9, v5;
	v1 =	vadd.f32 v1, v6;
	_ =	sdelay $0x1  }
0x1cc: {  	v5 =	vmax.f32 v2, v3;
	v6 =	vmax.f32 v4, v1  }
0x1cd: {  	v5 =	vmax.f32 v5, v6  }
0x1ce: {  	(xrf0) =	vmax.scan.msk.f32 $0xffff, v5;
	_ =	sdelay $0x5  }
0x1cf: {  	v5, _, _ =	vpop (xrf0)  }
0x1d0: {  	v5 =	vbroadcast v5, $0xF;
	_ =	sdelay $0x1  }
0x1d1: {  	v2 =	vsub.f32 v2, v5  }
0x1d2: {  	v3 =	vsub.f32 v3, v5  }
0x1d3: {  	v2 =	vmul.f32 $1.442695020e+00, v2  }
0x1d4: {  	v4 =	vsub.f32 v4, v5;
	v3 =	vmul.f32 $1.442695020e+00, v3  }
0x1d5: {  	(erf) = vpow2.f32 v2  }
0x1d6: {  	v1 =	vsub.f32 v1, v5;
	v2 =	vmul.f32 $1.442695020e+00, v4;
	(erf) = vpow2.f32 v3;
	_ =	sdelay $0x1  }
0x1d7: {  	v1 =	vmul.f32 $1.442695020e+00, v1;
	(erf) = vpow2.f32 v2;
	_ =	sdelay $0x1  }
0x1d8: {  	(erf) = vpow2.f32 v1;
	_ =	sdelay $0x3  }
0x1d9: {  	v1 =	vpop (erf)  }
0x1da: {  	v2 =	vpop (erf)  }
0x1db: {  	v3 =	vadd.f32 v2, v1  }
0x1dc: {  	v4 =	vpop (erf)  }
0x1dd: {  	v3 =	vadd.f32 v3, v4  }
0x1de: {  	v5 =	vpop (erf)  }
0x1df: {  	v3 =	vadd.f32 v3, v5;
	_ =	sdelay $0x1  }
0x1e0: {  	(xrf2) =	vadd.scan.msk.f32 $0xffff, v3;
	_ =	sdelay $0x9  }
0x1e1: {  	v3, _, _ =	vpop (xrf2)  }
0x1e2: {  	v3 =	vbroadcast v3, $0xF;
	_ =	sdelay $0x1  }
0x1e3: {  	(erf) = vrcp.f32 v3;
	_ =	sdelay $0x3  }
0x1e4: {  	s25 =	sshrl.u32 s3, $0x2  }
0x1e5: {  	p0 =	seq.s32 s25, $0x2  }
0x1e6: {  	v3 =	vpsel p0, v4, v5  }
0x1e7: {  	p1 =	seq.s32 s25, $0x1  }
0x1e8: {  	p6 =	seq.s32 s25, $0x0;
	v2 =	vpsel p1, v2, v3  }
0x1e9: {  	s4 =	sand.u32 $0xC, s4;
	v1 =	vpsel p6, v1, v2;
	v3 =	vpop (erf)  }
0x1ea: {  	v2 =	vmov s4;
	v1 =	vmul.f32 v3, v1  }
0x1eb: {  	s26 =	sor.u32 $0x1, s4;
	vm0 =	veq.s32 v2, v0  }
0x1ec: {  	v2 =	vmov s26;
	v3 =	vnsel vm0, $0x0, v1  }
0x1ed: {  	s28 =	sor.u32 $0x2, s4;
	vm13 =	veq.s32 v2, v0;
	(xrf2) =	vadd.scan.msk.f32 $0xffff, v3  }
0x1ee: {  	v2 =	vmov s28;
	v3 =	vnsel vm13, $0x0, v1  }
0x1ef: {  	s4 =	sor.u32 $0x3, s4;
	vm14 =	veq.s32 v2, v0;
	(xrf2) =	vadd.scan.msk.f32 $0xffff, v3  }
0x1f0: {  	v2 =	vmov s4;
	v3 =	vnsel vm14, $0x0, v1  }
0x1f1: {  	vm15 =	veq.s32 v2, v0;
	(xrf2) =	vadd.scan.msk.f32 $0xffff, v3  }
0x1f2: {  	s29 =	simm.s32 $0x0;
	v0 =	vnsel vm15, $0x0, v1  }
0x1f3: {  	s30 =	sand.u32 $0x70, s29;
	s4 =	sand.u32 $0xE00, s29;
	(xrf2) =	vadd.scan.msk.f32 $0xffff, v0  }
0x1f4: {  	s4 =	sor.u32 s30, s4  }
0x1f5: {  	v2 =	vld [tilespmem:s4+$0x10300]  }
0x1f6: {  	s4 =	sadd.s32 $0x10300, s4  }
0x1f7: {  	v3 =	vld [tilespmem:s4+$0x80];
	v0, _, _ =	vpop (xrf2)  }
0x1f8: {  	v0 =	vbroadcast v0, $0xF  }
0x1f9: {  	v4 =	vld [tilespmem:s4+$0x100];
	v1, _, _ =	vpop (xrf2)  }
0x1fa: {  	v1 =	vbroadcast v1, $0xF;
	v5 =	vmul.f32 v2, v0  }
0x1fb: {  	v6 =	vld [tilespmem:s4+$0x180];
	v2, _, _ =	vpop (xrf2)  }
0x1fc: {  	v2 =	vbroadcast v2, $0xF;
	v7 =	vmul.f32 v3, v1;
	v5 =	vadd.f32 $0.0e+00, v5  }
0x1fd: {  	v3, _, _ =	vpop (xrf2)  }
0x1fe: {  	v3 =	vbroadcast v3, $0xF;
	v4 =	vmul.f32 v4, v2;
	v5 =	vadd.f32 v7, v5;
	_ =	sdelay $0x1  }
0x1ff: {  	v4 =	vadd.f32 v4, v5;
	v5 =	vmul.f32 v6, v3;
	_ =	sdelay $0x1  }
0x200: {  	s31 =	simm.s32 $0x10;
	s8 =	simm.s32 $0x0;
	s4 =	simm.s32 $0x40;
	v4 =	vadd.f32 v5, v4  }
0x201: {  	s6 =	sand.u32 $0x70, s31;
	s5 =	simm.s32 $0x20;
	s7 =	sand.u32 $0xE00, s4  }
.LBB2_9:
0x202: {  	p0 =	sne.s32 s5, $0x230;
	s6 =	sor.u32 s6, s7;
	[tilespmem:s8+$0x12F00] =	vst v4;
	s8 =	smov.u32 s4  }
0x203: {  	v4 =	vld [tilespmem:s6+$0x10300]  }
0x204: {  	s6 =	sadd.s32 $0x10300, s6  }
0x205: {  	v5 =	vld [tilespmem:s6+$0x80];
	_ =	sdelay $0x1  }
0x206: {  	v6 =	vld [tilespmem:s6+$0x100]  }
0x207: {  	v4 =	vmul.f32 v4, v0  }
0x208: {  	v7 =	vld [tilespmem:s6+$0x180]  }
0x209: {  	v4 =	vadd.f32 $0.0e+00, v4;
	v5 =	vmul.f32 v5, v1;
	_ =	sdelay $0x1  }
0x20a: {  	v4 =	vadd.f32 v5, v4;
	v5 =	vmul.f32 v6, v2  }
.Ltmp4:
0x20b: {  	(pc) =	sbr.rel @p0 .LBB2_9-.Ltmp4, $3  }
0x20c: {  	v4 =	vadd.f32 v5, v4;
	v5 =	vmul.f32 v7, v3;
	_ =	sdelay $0x1  }
0x20d: {  	s4 =	sadd.s32 $0x40, s4;
	s6 =	sand.u32 $0x70, s5;
	v4 =	vadd.f32 v5, v4  }
0x20e: {  	s7 =	sand.u32 $0xE00, s4;
	s8 =	sshra.s32 s8, $0x2;
	s5 =	sadd.s32 $0x10, s5  }
0x20f: {  	s5 =	sor.u32 s6, s7;
	[tilespmem:s8+$0x12F00] =	vst v4  }
0x210: {  	v4 =	vld [tilespmem:s5+$0x10300]  }
0x211: {  	s5 =	sadd.s32 $0x10300, s5  }
0x212: {  	v5 =	vld [tilespmem:s5+$0x80];
	_ =	sdelay $0x1  }
0x213: {  	v6 =	vld [tilespmem:s5+$0x100]  }
0x214: {  	v0 =	vmul.f32 v4, v0  }
0x215: {  	v61 =	vld [tilespmem:s5+$0x180]  }
0x216: {  	v1 =	vmul.f32 v5, v1;
	v0 =	vadd.f32 $0.0e+00, v0;
	_ =	sdelay $0x1  }
0x217: {  	v62 =	vmul.f32 v6, v2;
	v0 =	vadd.f32 v1, v0  }
0x218: {  	s26 =	sshrl.u32 s3, $0x3  }
0x219: {  	s5 =	smul.u32 $0x5000, s26;
	v63 =	vmul.f32 v61, v3;
	v0 =	vadd.f32 v62, v0  }
0x21a: {  	s28 =	sshll.u32 s3, $0x7  }
0x21b: {  	s4 =	sshra.s32 s4, $0x2;
	s29 =	simm.s32 $0x80;
	s5 =	sshrl.u32 s5, $0x2;
	v0 =	vadd.f32 v63, v0  }
0x21c: {  	s30 =	simm.s32 $0x400;
	s6 =	sand.u32 $0x380, s28;
	s5 =	sadd.s32 s5, s2  }
0x21d: {  	s31 =	simm.s32 $0x12F00;
	s5 =	sadd.s32 s6, s5;
	[tilespmem:s4+$0x12F00] =	vst v0;
	s4 =	simm.s32 $0x2  }
0x21e: {  	[spmem:s5] =	stream.strided.scatter [tilespmem:s31], [sflag:$0x2], $0x280, s30, s29, $0x38;
	[tilespmem:$0x15E80] =	vst v63  }
0x21f: {  	_ =	swait.ge [sflag:s4], $0x280  }
0x220: {  	[sflag:s4] =	ssyncset.done $0x0  }
0x221: {  	[sflag:s4] =	ssyncadd.s32 $0xFFFFFD80  }
0x222: {  	p0 =	sne.s32 s3, $0x0;
	[bflag:$0x0] =	sbarrier.arrive $0xFFFF  }
0x223: {  	_ =	sfence.sel @p0 $0x180000  }
0x224: {  	[bflag:$0x0] =	sbarrier.arrive @p0 $0xFFFF  }
0x225: {  	_ =	strace @p0 $0x90000047  }
0x226: {  	[bflag:$0x2] =	sbarrier.arrive @p0 $0xFFFF  }
0x227: {  	_ =	shalt @p0  }
.LBB2_11:
0x228: {  	s3 =	simm.s32 $0x13180  }
0x229: {  	[tilespmem:s3], [sflag:$0x2] =	stream.linear.gather [spmem:s2], $0x2800, $0x38;
	[tilespmem:$0x15E80] =	vst v63  }
0x22a: {  	s29 =	simm.s32 $0x0;
	_ =	swait.ge [sflag:s4], $0x2800  }
0x22b: {  	s30 =	sand.u32 $0x70, s29;
	s2 =	sand.u32 $0x1C00, s29;
	[sflag:s4] =	ssyncset.done $0x0  }
0x22c: {  	s2 =	sor.u32 s30, s2;
	[sflag:s4] =	ssyncadd.s32 $0xFFFFD800  }
0x22d: {  	v0 =	vld [tilespmem:s2+$0x13180]  }
0x22e: {  	s3 =	sadd.s32 $0x13180, s2  }
0x22f: {  	v1 =	vld [tilespmem:s3+$0x80];
	_ =	sdelay $0x1  }
0x230: {  	v2 =	vld [tilespmem:s3+$0x100]  }
0x231: {  	v0 =	vadd.f32 $0.0e+00, v0  }
0x232: {  	v3 =	vld [tilespmem:s3+$0x180]  }
0x233: {  	v0 =	vadd.f32 v1, v0  }
0x234: {  	v1 =	vld [tilespmem:s3+$0x200]  }
0x235: {  	v0 =	vadd.f32 v2, v0  }
0x236: {  	v2 =	vld [tilespmem:s3+$0x280]  }
0x237: {  	v0 =	vadd.f32 v3, v0  }
0x238: {  	v3 =	vld [tilespmem:s3+$0x300]  }
0x239: {  	v0 =	vadd.f32 v1, v0  }
0x23a: {  	v1 =	vld [tilespmem:s3+$0x380]  }
0x23b: {  	v0 =	vadd.f32 v2, v0  }
0x23c: {  	v2 =	vld [tilespmem:s2+$0x14580]  }
0x23d: {  	v0 =	vadd.f32 v3, v0  }
0x23e: {  	v3 =	vld [tilespmem:s2+$0x14600]  }
0x23f: {  	v0 =	vadd.f32 v1, v0  }
0x240: {  	v1 =	vld [tilespmem:s2+$0x14680]  }
0x241: {  	v0 =	vadd.f32 v2, v0  }
0x242: {  	v2 =	vld [tilespmem:s2+$0x14700]  }
0x243: {  	v0 =	vadd.f32 v3, v0  }
0x244: {  	v3 =	vld [tilespmem:s2+$0x14780]  }
0x245: {  	v0 =	vadd.f32 v1, v0  }
0x246: {  	v1 =	vld [tilespmem:s2+$0x14800]  }
0x247: {  	v0 =	vadd.f32 v2, v0  }
0x248: {  	v2 =	vld [tilespmem:s2+$0x14880]  }
0x249: {  	v0 =	vadd.f32 v3, v0  }
0x24a: {  	v3 =	vld [tilespmem:s2+$0x14900]  }
0x24b: {  	v0 =	vadd.f32 v1, v0;
	_ =	sdelay $0x1  }
0x24c: {  	v1 =	vadd.f32 v2, v0  }
0x24d: {  	s31 =	simm.s32 $0x10  }
0x24e: {  	s5 =	sand.u32 $0x70, s31;
	s3 =	simm.s32 $0x80;
	v1 =	vadd.f32 v3, v1  }
0x24f: {  	s4 =	simm.s32 $0x20;
	s6 =	sand.u32 $0x1C00, s3;
	s2 =	simm.s32 $0x15980;
	v0 =	vimm.f32 $0.0e+00  }
.LBB2_12:
0x250: {  	p0 =	sne.s32 s4, $0x230;
	s5 =	sor.u32 s5, s6;
	[tilespmem:s2+$0x0] =	vst v1;
	v0 =	vadd.f32 v1, v0  }
0x251: {  	v1 =	vld [tilespmem:s5+$0x13180]  }
0x252: {  	s6 =	sadd.s32 $0x13180, s5  }
0x253: {  	v2 =	vld [tilespmem:s6+$0x80];
	_ =	sdelay $0x1  }
0x254: {  	v3 =	vld [tilespmem:s6+$0x100]  }
0x255: {  	v1 =	vadd.f32 $0.0e+00, v1  }
0x256: {  	v4 =	vld [tilespmem:s6+$0x180]  }
0x257: {  	v1 =	vadd.f32 v2, v1  }
0x258: {  	v2 =	vld [tilespmem:s6+$0x200]  }
0x259: {  	v1 =	vadd.f32 v3, v1  }
0x25a: {  	v3 =	vld [tilespmem:s6+$0x280]  }
0x25b: {  	v1 =	vadd.f32 v4, v1  }
0x25c: {  	v4 =	vld [tilespmem:s6+$0x300]  }
0x25d: {  	v1 =	vadd.f32 v2, v1  }
0x25e: {  	v2 =	vld [tilespmem:s6+$0x380]  }
0x25f: {  	v1 =	vadd.f32 v3, v1  }
0x260: {  	v3 =	vld [tilespmem:s5+$0x14580]  }
0x261: {  	v1 =	vadd.f32 v4, v1  }
0x262: {  	v4 =	vld [tilespmem:s5+$0x14600]  }
0x263: {  	v1 =	vadd.f32 v2, v1  }
0x264: {  	v2 =	vld [tilespmem:s5+$0x14680]  }
0x265: {  	v1 =	vadd.f32 v3, v1  }
0x266: {  	v3 =	vld [tilespmem:s5+$0x14700]  }
0x267: {  	v1 =	vadd.f32 v4, v1  }
0x268: {  	v4 =	vld [tilespmem:s5+$0x14780]  }
0x269: {  	v1 =	vadd.f32 v2, v1  }
0x26a: {  	v2 =	vld [tilespmem:s5+$0x14800]  }
0x26b: {  	v1 =	vadd.f32 v3, v1  }
0x26c: {  	v3 =	vld [tilespmem:s5+$0x14880]  }
0x26d: {  	v1 =	vadd.f32 v4, v1  }
0x26e: {  	v4 =	vld [tilespmem:s5+$0x14900]  }
0x26f: {  	v1 =	vadd.f32 v2, v1  }
.Ltmp5:
0x270: {  	(pc) =	sbr.rel @p0 .LBB2_12-.Ltmp5, $3  }
0x271: {  	v1 =	vadd.f32 v3, v1;
	_ =	sdelay $0x1  }
0x272: {  	s3 =	sadd.s32 $0x80, s3;
	s2 =	sadd.s32 $0x10, s2;
	v1 =	vadd.f32 v4, v1  }
0x273: {  	s6 =	sand.u32 $0x1C00, s3;
	s5 =	sand.u32 $0x70, s4;
	s4 =	sadd.s32 $0x10, s4  }
0x274: {  	s3 =	sor.u32 s5, s6;
	[tilespmem:s2+$0x0] =	vst v1  }
0x275: {  	v2 =	vld [tilespmem:s3+$0x13180]  }
0x276: {  	s4 =	sadd.s32 $0x13180, s3  }
0x277: {  	v3 =	vld [tilespmem:s4+$0x80];
	_ =	sdelay $0x1  }
0x278: {  	v4 =	vld [tilespmem:s4+$0x100]  }
0x279: {  	v2 =	vadd.f32 $0.0e+00, v2  }
0x27a: {  	v5 =	vld [tilespmem:s4+$0x180]  }
0x27b: {  	v2 =	vadd.f32 v3, v2  }
0x27c: {  	v3 =	vld [tilespmem:s4+$0x200]  }
0x27d: {  	v2 =	vadd.f32 v4, v2  }
0x27e: {  	v56 =	vld [tilespmem:s4+$0x280]  }
0x27f: {  	v2 =	vadd.f32 v5, v2  }
0x280: {  	v57 =	vld [tilespmem:s4+$0x300]  }
0x281: {  	v2 =	vadd.f32 v3, v2  }
0x282: {  	v3 =	vld [tilespmem:s4+$0x380]  }
0x283: {  	v2 =	vadd.f32 v56, v2  }
0x284: {  	v58 =	vld [tilespmem:s3+$0x14580]  }
0x285: {  	v2 =	vadd.f32 v57, v2  }
0x286: {  	v59 =	vld [tilespmem:s3+$0x14600]  }
0x287: {  	v2 =	vadd.f32 v3, v2  }
0x288: {  	v3 =	vld [tilespmem:s3+$0x14680]  }
0x289: {  	v2 =	vadd.f32 v58, v2  }
0x28a: {  	v60 =	vld [tilespmem:s3+$0x14700]  }
0x28b: {  	v2 =	vadd.f32 v59, v2  }
0x28c: {  	v61 =	vld [tilespmem:s3+$0x14780]  }
0x28d: {  	v2 =	vadd.f32 v3, v2  }
0x28e: {  	v3 =	vld [tilespmem:s3+$0x14800]  }
0x28f: {  	v2 =	vadd.f32 v60, v2  }
0x290: {  	v62 =	vld [tilespmem:s3+$0x14880]  }
0x291: {  	v2 =	vadd.f32 v61, v2  }
0x292: {  	v63 =	vld [tilespmem:s3+$0x14900]  }
0x293: {  	v2 =	vadd.f32 v3, v2;
	_ =	sdelay $0x1  }
0x294: {  	v2 =	vadd.f32 v62, v2;
	_ =	sdelay $0x1  }
0x295: {  	v0 =	vadd.f32 v1, v0;
	v1 =	vadd.f32 v63, v2;
	_ =	sdelay $0x1  }
0x296: {  	v0 =	vadd.f32 v1, v0;
	_ =	sdelay $0x1  }
0x297: {  	(xrf2) =	vadd.scan.msk.f32 $0xffff, v0;
	_ =	sdelay $0x9  }
0x298: {  	v0, _, _ =	vpop (xrf2)  }
0x299: {  	(v2sf) =	vpush v0, $0xF;
	_ =	sdelay $0xe  }
0x29a: {  	s30 =	spop (v2sf)  }
0x29b: {  	s3 =	sadd.f32 $9.999999930e-09, s30;
	_ =	sdelay $0x1  }
0x29c: {  	v0 =	vmov s3  }
0x29d: {  	(erf) = vrcp.f32 v0;
	_ =	sdelay $0x7  }
0x29e: {  	s31 =	sadd.s32 $0x10, s2  }
0x29f: {  	s2 =	simm.s32 $0x0;
	[tilespmem:s31+$0x0] =	vst v1;
	s3 =	simm.s32 $0x40;
	v0 =	vpop (erf)  }
.LBB2_14:
0x2a0: {  	p0 =	sne.s32 s3, $0x8C0;
	v1 =	vld [tilespmem:s2+$0x15980];
	_ =	sdelay $0x2  }
.Ltmp6:
0x2a1: {  	(pc) =	sbr.rel @p0 .LBB2_14-.Ltmp6, $3  }
0x2a2: {  	_ = 	snop  }
0x2a3: {  	v1 =	vmul.f32 v1, v0;
	_ =	sdelay $0x1  }
0x2a4: {  	[tilespmem:s2+$0x15980] =	vst v1;
	s2 =	sshra.s32 s3, $0x2;
	s3 =	sadd.s32 $0x40, s3  }
0x2a5: {  	v1 =	vld [tilespmem:s2+$0x15980];
	_ =	sdelay $0x4  }
0x2a6: {  	v0 =	vmul.f32 v1, v0;
	_ =	sdelay $0x1  }
0x2a7: {  	s30 =	simm.s32 $0x0;
	s3 =	simm.s32 $0x15980;
	s31 =	simm.s32 $0x2;
	[tilespmem:s2+$0x15980] =	vst v0  }
0x2a8: {  	[hbm4b:s1+s30] =	stream.linear.scatter [tilespmem:s3], [sflag:$0x2], $0x280, $0x38;
	[tilespmem:$0x15E80] =	vst v63  }
0x2a9: {  	_ =	swait.ge [sflag:s31], $0x280  }
0x2aa: {  	[sflag:s31] =	ssyncset.done $0x0  }
0x2ab: {  	[sflag:s31] =	ssyncadd.s32 $0xFFFFFD80  }
0x2ac: {  	_ =	sfence.sel $0x180000  }
0x2ad: {  	[bflag:$0x0] =	sbarrier.arrive $0xFFFF  }
0x2ae: {  	_ =	strace $0x90000047  }
0x2af: {  	s0 =	sadd.s32 $0x100000, s0;
	[bflag:$0x2] =	sbarrier.arrive $0xFFFF  }
0x2b0: {  	[sflag:s0] =	ssyncadd.tile.s32 $0x1;
	_ =	shalt  }
.Lfunc_end2:
_tile_overlayer_lowered:
.L_overlay_start_2:
0x2b1: {  	(tag) =	ssettag $0x2  }
0x2b2: {  	s0 =	rddreg [dreg:$0x0];
	s2 =	stileid.u32  }
0x2b3: {  	s1 =	rddreg [dreg:$0x1];
	p0 =	sne.s32 s2, $0x0  }
0x2b4: {  	s3 =	rddreg [dreg:$0x2];
	[bflag:$0x3] =	sbarrier.arrive $0xFFFF;
	s2 =	simm.s32 @!p0 $0x1C02  }
0x2b5: {  	[timem:s3], [sflag:s2] =	dma.local @!p0 [hbm:s0], s1  }
0x2b6: {  	s0 =	simm.s32 @!p0 $0x2  }
0x2b7: {  	_ =	swait.ge @!p0 [sflag:s0], s1  }
0x2b8: {  	s1 =	ssub.s32 @!p0 $0x0, s1;
	[sflag:s0] =	ssyncset.done @!p0 $0x0  }
0x2b9: {  	[sflag:s0] =	ssyncadd.s32 @!p0 s1  }
0x2ba: {  	[bflag:$0x3] =	sbarrier.arrive $0xFFFF  }
0x2bb: {  	_ =	shalt  }

</sc_bundles>
